<compile_context>
chip_gen: v7x
topology: tpu7x:2x2x1
jax: 0.10.2.dev20260603
libtpu: 0.0.44.dev20260713+nightly
codegen_flags: <defaults>
</compile_context>

<pallas_src>
import jax
import jax.numpy as jnp
from jax import lax
from jax.experimental import pallas as pl
from jax.experimental.pallas import tpu as pltpu
from jax.experimental.pallas import tpu_sc as plsc

B = 16384
NF = 26
V = 100000
D = 16
NCONT = 13
H = 16
OUT = 16
EPS = 1e-5

SC_CORES = 2
SC_SUBCORES = 16
NW = SC_CORES * SC_SUBCORES
TOTAL = B * NF
CH = B // NW
IW = 128
NG = CH // IW

PACK = 8
R = B // PACK
BLK_R = 512

VB = 8192
NVB = -(-V // VB)


def _tr_body(in_ref, out_ref):
    x = in_ref[0].reshape(D, VB // 8, 8)
    tr = jnp.transpose(x, (1, 2, 0))
    out_ref[0] = tr.reshape(VB // 8, 8 * D)


def _transpose(tables_t):
    return pl.pallas_call(
        _tr_body,
        grid=(NF, NVB),
        in_specs=[pl.BlockSpec((1, D, VB), lambda f, j: (f, 0, j))],
        out_specs=pl.BlockSpec((1, VB // 8, 8 * D), lambda f, j: (f, j, 0)),
        out_shape=jax.ShapeDtypeStruct((NF, V // 8, 8 * D), jnp.float32),
    )(tables_t)


def _gather_body(tbl_hbm, idx_hbm, out_hbm, idx_v, rows_v, sem):
    c = lax.axis_index("c")
    s = lax.axis_index("s")
    wid = s * SC_CORES + c
    bw = wid * CH

    def step(f, carry):
        base = f * B + bw
        for j in range(NG):
            pltpu.sync_copy(idx_hbm.at[pl.ds(base + j * IW, IW)], idx_v.at[j])
        off = f * V
        for j in range(NG):
            for k in range(IW // 16):
                idx_v[j, pl.ds(k * 16, 16)] = idx_v[j, pl.ds(k * 16, 16)] + off
        cps = [
            pltpu.async_copy(tbl_hbm.at[idx_v.at[j]],
                             rows_v.at[pl.ds(j * IW, IW)], sem)
            for j in range(NG)
        ]
        for cp in cps:
            cp.wait()
        pltpu.sync_copy(rows_v, out_hbm.at[pl.ds(base, CH)])
        return carry

    lax.fori_loop(0, NF, step, 0)


def _sc_gather(tbl_rm, idx_fm):
    mesh = plsc.VectorSubcoreMesh(core_axis_name="c", subcore_axis_name="s")
    return pl.kernel(
        _gather_body,
        mesh=mesh,
        compiler_params=pltpu.CompilerParams(use_tc_tiling_on_sc=False),
        out_type=jax.ShapeDtypeStruct((TOTAL, D), jnp.float32),
        scratch_types=[
            pltpu.VMEM((NG, IW), jnp.int32),
            pltpu.VMEM((CH, D), jnp.float32),
            pltpu.SemaphoreType.DMA,
        ],
    )(tbl_rm, idx_fm)


def _mlp_body(emb_ref, xc_ref, k1e_ref, k1c_ref, b1_ref, k2_ref, b2_ref,
              k3_ref, b3_ref, k4_ref, b4_ref, g_ref, be_ref, mu_ref, var_ref,
              out_ref):
    f32 = jnp.float32
    hi = lax.Precision.HIGHEST
    dot = lambda a, b: jnp.dot(a, b, preferred_element_type=f32, precision=hi)
    xc = xc_ref[...]
    x2 = (xc - mu_ref[...]) * (g_ref[...] * lax.rsqrt(var_ref[...] + EPS)) \
        + be_ref[...]
    h = dot(x2, k1c_ref[...])
    for f in range(NF):
        h = h + dot(emb_ref[f], k1e_ref[f])
    h = jnp.maximum(h + b1_ref[...], 0.0)
    h = jnp.maximum(dot(h, k2_ref[...]) + b2_ref[...], 0.0)
    h = jnp.maximum(dot(h, k3_ref[...]) + b3_ref[...], 0.0)
    out_ref[...] = dot(h, k4_ref[...]) + b4_ref[...]


def _mlp(emb_p, xc_p, k1e, k1c, b1p, k2, b2p, k3, b3p, k4, b4p,
         gp, bep, mup, varp):
    full2 = lambda shape: pl.BlockSpec(shape, lambda i: (0, 0))
    full3 = lambda shape: pl.BlockSpec(shape, lambda i: (0, 0, 0))
    return pl.pallas_call(
        _mlp_body,
        grid=(R // BLK_R,),
        in_specs=[
            pl.BlockSpec((NF, BLK_R, PACK * D), lambda i: (0, i, 0)),
            pl.BlockSpec((BLK_R, PACK * NCONT), lambda i: (i, 0)),
            full3((NF, PACK * D, PACK * H)),
            full2((PACK * NCONT, PACK * H)),
            full2((1, PACK * H)),
            full2((PACK * H, PACK * H)),
            full2((1, PACK * H)),
            full2((PACK * H, PACK * H)),
            full2((1, PACK * H)),
            full2((PACK * H, PACK * OUT)),
            full2((1, PACK * OUT)),
            full2((1, PACK * NCONT)),
            full2((1, PACK * NCONT)),
            full2((1, PACK * NCONT)),
            full2((1, PACK * NCONT)),
        ],
        out_specs=pl.BlockSpec((BLK_R, PACK * OUT), lambda i: (i, 0)),
        out_shape=jax.ShapeDtypeStruct((R, PACK * OUT), jnp.float32),
    )(emb_p, xc_p, k1e, k1c, b1p, k2, b2p, k3, b3p, k4, b4p, gp, bep, mup,
      varp)


def kernel(x_cont, x_cat, tables, W1, b1, W2, b2, W3, b3, W4, b4,
           bn_gamma, bn_beta, bn_mean, bn_var):
    f32 = jnp.float32
    idx_fm = x_cat.T.reshape(TOTAL)
    tbl_rm = tables.reshape(NF * V, D)
    emb = _sc_gather(tbl_rm, idx_fm)
    emb_p = emb.reshape(NF, R, PACK * D)

    eye8 = jnp.eye(PACK, dtype=f32)
    kron8 = lambda m: jnp.kron(eye8, m)
    m1e = W1[:, :NF * D].T.reshape(NF, D, H)
    k1e = jax.vmap(kron8)(m1e)
    k1c = kron8(W1[:, NF * D:].T)
    k2 = kron8(W2.T)
    k3 = kron8(W3.T)
    k4 = kron8(W4.T)
    tile8 = lambda v: jnp.tile(v.reshape(1, -1), (1, PACK))
    xc_p = x_cont.reshape(R, PACK * NCONT)

    out_p = _mlp(emb_p, xc_p, k1e, k1c, tile8(b1), k2, tile8(b2), k3,
                 tile8(b3), k4, tile8(b4), tile8(bn_gamma), tile8(bn_beta),
                 tile8(bn_mean), tile8(bn_var))
    return out_p.reshape(B, OUT)

# --- scband reference (transcript-rebuilt; emitter-appended) ---
"""Pipeline reference for scband-embedding-base-model-86337432584444 (READ-ONLY COPY).

The authoritative reference and input builder live on the scoring server;
editing this copy changes nothing except your own understanding.
"""

import jax, jax.numpy as jnp
import numpy as np

B = 16384
NF = 26
V = 100000
D = 16
NC = 13
H = 16
OUT = 16
EPS = 1e-5


def setup_inputs(seed: int = 0) -> dict:
    key = jax.random.key(seed)
    ks = jax.random.split(key, 12)
    x_cont = jax.random.normal(ks[0], (B, NC), dtype=jnp.float32)
    x_cat = jax.random.randint(ks[1], (B, NF), 0, V, dtype=jnp.int32)
    # 26 embedding tables, each (V, D), stacked; torch nn.Embedding init ~ N(0,1)
    tables = jax.random.normal(ks[2], (NF, V, D), dtype=jnp.float32)
    n_in = NF * D + NC
    W1 = jax.random.normal(ks[3], (H, n_in), dtype=jnp.float32) * (1.0 / np.sqrt(n_in))
    b1 = jnp.zeros((H,), dtype=jnp.float32)
    W2 = jax.random.normal(ks[4], (H, H), dtype=jnp.float32) * (1.0 / np.sqrt(H))
    b2 = jnp.zeros((H,), dtype=jnp.float32)
    W3 = jax.random.normal(ks[5], (H, H), dtype=jnp.float32) * (1.0 / np.sqrt(H))
    b3 = jnp.zeros((H,), dtype=jnp.float32)
    W4 = jax.random.normal(ks[6], (OUT, H), dtype=jnp.float32) * (1.0 / np.sqrt(H))
    b4 = jnp.zeros((OUT,), dtype=jnp.float32)
    bn_gamma = jnp.ones((NC,), dtype=jnp.float32)
    bn_beta = jnpp = jnp.zeros((NC,), dtype=jnp.float32)
    bn_mean = jnp.zeros((NC,), dtype=jnp.float32)
    bn_var = jnp.ones((NC,), dtype=jnp.float32)
    return {"x_cont": x_cont, "x_cat": x_cat, "tables": tables,
            "W1": W1, "b1": b1, "W2": W2, "b2": b2, "W3": W3, "b3": b3,
            "W4": W4, "b4": b4, "bn_gamma": bn_gamma, "bn_beta": bn_beta,
            "bn_mean": bn_mean, "bn_var": bn_var}


def reference(x_cont, x_cat, tables, W1, b1, W2, b2, W3, b3, W4, b4,
              bn_gamma, bn_beta, bn_mean, bn_var):
    # per-field embedding lookup: tables[i][x_cat[:, i]] for each field i
    emb = tables[jnp.arange(NF)[None, :], x_cat]  # [B, NF, D]
    emb = emb.reshape(B, NF * D)                  # concat over fields (dim 1)
    # BatchNorm1d on continuous features (eval mode, running stats)
    x2 = (x_cont - bn_mean) / jnp.sqrt(bn_var + EPS) * bn_gamma + bn_beta
    x = jnp.concatenate([emb, x2], axis=1)
    x = jax.nn.relu(x @ W1.T + b1)
    x = jax.nn.relu(x @ W2.T + b2)
    x = jax.nn.relu(x @ W3.T + b3)
    x = x @ W4.T + b4
    return x

if __name__ == "__main__":
    import jax
    _d = setup_inputs()
    print(jax.jit(kernel)(*tuple(_d.values())))

</pallas_src>

<mosaic_0001>
#map = affine_map<(d0, d1) -> (0, 0)>
#map1 = affine_map<(d0, d1) -> (0)>
module attributes {stable_mosaic.version = 14 : i64} {
  func.func @_gather_body(%arg0: i32, %arg1: i32, %arg2: memref<2600000x16xf32, #tpu.memory_space<hbm>>, %arg3: memref<425984xi32, #tpu.memory_space<hbm>>, %arg4: memref<425984x16xf32, #tpu.memory_space<hbm>>, %arg5: memref<4x128xi32, #tpu.memory_space<vmem>>, %arg6: memref<512x16xf32, #tpu.memory_space<vmem>>, %arg7: memref<!tpu.dma_semaphore, #tpu.memory_space<semaphore_mem>>) attributes {dimension_semantics = [#tpu.dimension_semantics<core_parallel>, #tpu.dimension_semantics<subcore_parallel>], iteration_bounds = array<i64: 2, 16>, scalar_prefetch = 0 : i64, scratch_operands = 3 : i64, tpu.core_type = #tpu.core_type<sc_vector_subcore>, window_params = [{transform_indices = #map}, {transform_indices = #map1}, {transform_indices = #map}]} {
    %mul3A = arith.constant 2 : i32
    %mul3A_0 = arith.muli %arg1, %mul3A : i32
    %add3A = arith.addi %mul3A_0, %arg0 : i32
    %mul3A_1 = arith.constant 512 : i32
    %mul3A_2 = arith.muli %add3A, %mul3A_1 : i32
    %scan3A = arith.constant 0 : i32
    %scan3A_3 = arith.constant 0 : i32
    %scan3A_4 = arith.constant 26 : i32
    %scan3A_5 = arith.addi %scan3A_3, %scan3A_4 : i32
    %scan3A_6 = arith.constant 1 : i32
    scf.for %scan3A_8 = %scan3A_3 to %scan3A_5 step %scan3A_6  : i32 {
      %mul3A_9 = arith.constant 16384 : i32
      %mul3A_10 = arith.muli %scan3A_8, %mul3A_9 : i32
      %add3A_11 = arith.addi %mul3A_10, %mul3A_2 : i32
      %add3A_12 = arith.constant 0 : i32
      %add3A_13 = arith.addi %add3A_11, %add3A_12 : i32
      %run_scoped3A = arith.constant 0 : i32
      "tpu.region"() ({
        %run_scoped3A_517 = tpu.sem_alloc : memref<!tpu.dma_semaphore, #tpu.memory_space<semaphore_mem>>
        %dma_start3A_518 = arith.constant 0 : i32
        %dma_start3A_519 = tpu.memref_slice %arg5[%run_scoped3A, %dma_start3A_518] : memref<4x128xi32, #tpu.memory_space<vmem>> -> memref<1x128xi32, #tpu.memory_space<vmem>>
        %dma_start3A_520 = tpu.memref_squeeze %dma_start3A_519 : memref<1x128xi32, #tpu.memory_space<vmem>> -> memref<128xi32, #tpu.memory_space<vmem>>
        %dma_start3A_521 = tpu.memref_slice %arg3[%add3A_13] : memref<425984xi32, #tpu.memory_space<hbm>> -> memref<128xi32, #tpu.memory_space<hbm>>
        %dma_start3A_522 = arith.constant 0 : i32
        %dma_start3A_523 = tpu.memref_slice %arg5[%run_scoped3A, %dma_start3A_522] : memref<4x128xi32, #tpu.memory_space<vmem>> -> memref<1x128xi32, #tpu.memory_space<vmem>>
        %dma_start3A_524 = tpu.memref_squeeze %dma_start3A_523 : memref<1x128xi32, #tpu.memory_space<vmem>> -> memref<128xi32, #tpu.memory_space<vmem>>
        %dma_start3A_525 = tpu.memref_slice %arg3[%add3A_13] : memref<425984xi32, #tpu.memory_space<hbm>> -> memref<128xi32, #tpu.memory_space<hbm>>
        tpu.enqueue_dma source(%dma_start3A_525 : memref<128xi32, #tpu.memory_space<hbm>>) target(%dma_start3A_524 : memref<128xi32, #tpu.memory_space<vmem>>) target_semaphore(%run_scoped3A_517 : memref<!tpu.dma_semaphore, #tpu.memory_space<semaphore_mem>>)
        %dma_wait3A_526 = arith.constant 0 : i32
        %dma_wait3A_527 = tpu.memref_slice %arg5[%run_scoped3A, %dma_wait3A_526] : memref<4x128xi32, #tpu.memory_space<vmem>> -> memref<1x128xi32, #tpu.memory_space<vmem>>
        %dma_wait3A_528 = tpu.memref_squeeze %dma_wait3A_527 : memref<1x128xi32, #tpu.memory_space<vmem>> -> memref<128xi32, #tpu.memory_space<vmem>>
        %dma_wait3A_529 = tpu.memref_slice %arg3[%add3A_13] : memref<425984xi32, #tpu.memory_space<hbm>> -> memref<128xi32, #tpu.memory_space<hbm>>
        %dma_wait3A_530 = arith.constant 0 : i32
        %dma_wait3A_531 = tpu.memref_slice %arg5[%run_scoped3A, %dma_wait3A_530] : memref<4x128xi32, #tpu.memory_space<vmem>> -> memref<1x128xi32, #tpu.memory_space<vmem>>
        %dma_wait3A_532 = tpu.memref_squeeze %dma_wait3A_531 : memref<1x128xi32, #tpu.memory_space<vmem>> -> memref<128xi32, #tpu.memory_space<vmem>>
        %dma_wait3A_533 = tpu.memref_slice %arg3[%add3A_13] : memref<425984xi32, #tpu.memory_space<hbm>> -> memref<128xi32, #tpu.memory_space<hbm>>
        tpu.wait_dma2 semaphore(%run_scoped3A_517 : memref<!tpu.dma_semaphore, #tpu.memory_space<semaphore_mem>>) src(%dma_wait3A_533 : memref<128xi32, #tpu.memory_space<hbm>>) dst(%dma_wait3A_532 : memref<128xi32, #tpu.memory_space<vmem>>)
        tpu.yield
      }) : () -> ()
      %add3A_14 = arith.constant 128 : i32
      %add3A_15 = arith.addi %add3A_11, %add3A_14 : i32
      %run_scoped3A_16 = arith.constant 1 : i32
      "tpu.region"() ({
        %run_scoped3A_517 = tpu.sem_alloc : memref<!tpu.dma_semaphore, #tpu.memory_space<semaphore_mem>>
        %dma_start3A_518 = arith.constant 0 : i32
        %dma_start3A_519 = tpu.memref_slice %arg5[%run_scoped3A_16, %dma_start3A_518] : memref<4x128xi32, #tpu.memory_space<vmem>> -> memref<1x128xi32, #tpu.memory_space<vmem>>
        %dma_start3A_520 = tpu.memref_squeeze %dma_start3A_519 : memref<1x128xi32, #tpu.memory_space<vmem>> -> memref<128xi32, #tpu.memory_space<vmem>>
        %dma_start3A_521 = tpu.memref_slice %arg3[%add3A_15] : memref<425984xi32, #tpu.memory_space<hbm>> -> memref<128xi32, #tpu.memory_space<hbm>>
        %dma_start3A_522 = arith.constant 0 : i32
        %dma_start3A_523 = tpu.memref_slice %arg5[%run_scoped3A_16, %dma_start3A_522] : memref<4x128xi32, #tpu.memory_space<vmem>> -> memref<1x128xi32, #tpu.memory_space<vmem>>
        %dma_start3A_524 = tpu.memref_squeeze %dma_start3A_523 : memref<1x128xi32, #tpu.memory_space<vmem>> -> memref<128xi32, #tpu.memory_space<vmem>>
        %dma_start3A_525 = tpu.memref_slice %arg3[%add3A_15] : memref<425984xi32, #tpu.memory_space<hbm>> -> memref<128xi32, #tpu.memory_space<hbm>>
        tpu.enqueue_dma source(%dma_start3A_525 : memref<128xi32, #tpu.memory_space<hbm>>) target(%dma_start3A_524 : memref<128xi32, #tpu.memory_space<vmem>>) target_semaphore(%run_scoped3A_517 : memref<!tpu.dma_semaphore, #tpu.memory_space<semaphore_mem>>)
        %dma_wait3A_526 = arith.constant 0 : i32
        %dma_wait3A_527 = tpu.memref_slice %arg5[%run_scoped3A_16, %dma_wait3A_526] : memref<4x128xi32, #tpu.memory_space<vmem>> -> memref<1x128xi32, #tpu.memory_space<vmem>>
        %dma_wait3A_528 = tpu.memref_squeeze %dma_wait3A_527 : memref<1x128xi32, #tpu.memory_space<vmem>> -> memref<128xi32, #tpu.memory_space<vmem>>
        %dma_wait3A_529 = tpu.memref_slice %arg3[%add3A_15] : memref<425984xi32, #tpu.memory_space<hbm>> -> memref<128xi32, #tpu.memory_space<hbm>>
        %dma_wait3A_530 = arith.constant 0 : i32
        %dma_wait3A_531 = tpu.memref_slice %arg5[%run_scoped3A_16, %dma_wait3A_530] : memref<4x128xi32, #tpu.memory_space<vmem>> -> memref<1x128xi32, #tpu.memory_space<vmem>>
        %dma_wait3A_532 = tpu.memref_squeeze %dma_wait3A_531 : memref<1x128xi32, #tpu.memory_space<vmem>> -> memref<128xi32, #tpu.memory_space<vmem>>
        %dma_wait3A_533 = tpu.memref_slice %arg3[%add3A_15] : memref<425984xi32, #tpu.memory_space<hbm>> -> memref<128xi32, #tpu.memory_space<hbm>>
        tpu.wait_dma2 semaphore(%run_scoped3A_517 : memref<!tpu.dma_semaphore, #tpu.memory_space<semaphore_mem>>) src(%dma_wait3A_533 : memref<128xi32, #tpu.memory_space<hbm>>) dst(%dma_wait3A_532 : memref<128xi32, #tpu.memory_space<vmem>>)
        tpu.yield
      }) : () -> ()
      %add3A_17 = arith.constant 256 : i32
      %add3A_18 = arith.addi %add3A_11, %add3A_17 : i32
      %run_scoped3A_19 = arith.constant 2 : i32
      "tpu.region"() ({
        %run_scoped3A_517 = tpu.sem_alloc : memref<!tpu.dma_semaphore, #tpu.memory_space<semaphore_mem>>
        %dma_start3A_518 = arith.constant 0 : i32
        %dma_start3A_519 = tpu.memref_slice %arg5[%run_scoped3A_19, %dma_start3A_518] : memref<4x128xi32, #tpu.memory_space<vmem>> -> memref<1x128xi32, #tpu.memory_space<vmem>>
        %dma_start3A_520 = tpu.memref_squeeze %dma_start3A_519 : memref<1x128xi32, #tpu.memory_space<vmem>> -> memref<128xi32, #tpu.memory_space<vmem>>
        %dma_start3A_521 = tpu.memref_slice %arg3[%add3A_18] : memref<425984xi32, #tpu.memory_space<hbm>> -> memref<128xi32, #tpu.memory_space<hbm>>
        %dma_start3A_522 = arith.constant 0 : i32
        %dma_start3A_523 = tpu.memref_slice %arg5[%run_scoped3A_19, %dma_start3A_522] : memref<4x128xi32, #tpu.memory_space<vmem>> -> memref<1x128xi32, #tpu.memory_space<vmem>>
        %dma_start3A_524 = tpu.memref_squeeze %dma_start3A_523 : memref<1x128xi32, #tpu.memory_space<vmem>> -> memref<128xi32, #tpu.memory_space<vmem>>
        %dma_start3A_525 = tpu.memref_slice %arg3[%add3A_18] : memref<425984xi32, #tpu.memory_space<hbm>> -> memref<128xi32, #tpu.memory_space<hbm>>
        tpu.enqueue_dma source(%dma_start3A_525 : memref<128xi32, #tpu.memory_space<hbm>>) target(%dma_start3A_524 : memref<128xi32, #tpu.memory_space<vmem>>) target_semaphore(%run_scoped3A_517 : memref<!tpu.dma_semaphore, #tpu.memory_space<semaphore_mem>>)
        %dma_wait3A_526 = arith.constant 0 : i32
        %dma_wait3A_527 = tpu.memref_slice %arg5[%run_scoped3A_19, %dma_wait3A_526] : memref<4x128xi32, #tpu.memory_space<vmem>> -> memref<1x128xi32, #tpu.memory_space<vmem>>
        %dma_wait3A_528 = tpu.memref_squeeze %dma_wait3A_527 : memref<1x128xi32, #tpu.memory_space<vmem>> -> memref<128xi32, #tpu.memory_space<vmem>>
        %dma_wait3A_529 = tpu.memref_slice %arg3[%add3A_18] : memref<425984xi32, #tpu.memory_space<hbm>> -> memref<128xi32, #tpu.memory_space<hbm>>
        %dma_wait3A_530 = arith.constant 0 : i32
        %dma_wait3A_531 = tpu.memref_slice %arg5[%run_scoped3A_19, %dma_wait3A_530] : memref<4x128xi32, #tpu.memory_space<vmem>> -> memref<1x128xi32, #tpu.memory_space<vmem>>
        %dma_wait3A_532 = tpu.memref_squeeze %dma_wait3A_531 : memref<1x128xi32, #tpu.memory_space<vmem>> -> memref<128xi32, #tpu.memory_space<vmem>>
        %dma_wait3A_533 = tpu.memref_slice %arg3[%add3A_18] : memref<425984xi32, #tpu.memory_space<hbm>> -> memref<128xi32, #tpu.memory_space<hbm>>
        tpu.wait_dma2 semaphore(%run_scoped3A_517 : memref<!tpu.dma_semaphore, #tpu.memory_space<semaphore_mem>>) src(%dma_wait3A_533 : memref<128xi32, #tpu.memory_space<hbm>>) dst(%dma_wait3A_532 : memref<128xi32, #tpu.memory_space<vmem>>)
        tpu.yield
      }) : () -> ()
      %add3A_20 = arith.constant 384 : i32
      %add3A_21 = arith.addi %add3A_11, %add3A_20 : i32
      %run_scoped3A_22 = arith.constant 3 : i32
      "tpu.region"() ({
        %run_scoped3A_517 = tpu.sem_alloc : memref<!tpu.dma_semaphore, #tpu.memory_space<semaphore_mem>>
        %dma_start3A_518 = arith.constant 0 : i32
        %dma_start3A_519 = tpu.memref_slice %arg5[%run_scoped3A_22, %dma_start3A_518] : memref<4x128xi32, #tpu.memory_space<vmem>> -> memref<1x128xi32, #tpu.memory_space<vmem>>
        %dma_start3A_520 = tpu.memref_squeeze %dma_start3A_519 : memref<1x128xi32, #tpu.memory_space<vmem>> -> memref<128xi32, #tpu.memory_space<vmem>>
        %dma_start3A_521 = tpu.memref_slice %arg3[%add3A_21] : memref<425984xi32, #tpu.memory_space<hbm>> -> memref<128xi32, #tpu.memory_space<hbm>>
        %dma_start3A_522 = arith.constant 0 : i32
        %dma_start3A_523 = tpu.memref_slice %arg5[%run_scoped3A_22, %dma_start3A_522] : memref<4x128xi32, #tpu.memory_space<vmem>> -> memref<1x128xi32, #tpu.memory_space<vmem>>
        %dma_start3A_524 = tpu.memref_squeeze %dma_start3A_523 : memref<1x128xi32, #tpu.memory_space<vmem>> -> memref<128xi32, #tpu.memory_space<vmem>>
        %dma_start3A_525 = tpu.memref_slice %arg3[%add3A_21] : memref<425984xi32, #tpu.memory_space<hbm>> -> memref<128xi32, #tpu.memory_space<hbm>>
        tpu.enqueue_dma source(%dma_start3A_525 : memref<128xi32, #tpu.memory_space<hbm>>) target(%dma_start3A_524 : memref<128xi32, #tpu.memory_space<vmem>>) target_semaphore(%run_scoped3A_517 : memref<!tpu.dma_semaphore, #tpu.memory_space<semaphore_mem>>)
        %dma_wait3A_526 = arith.constant 0 : i32
        %dma_wait3A_527 = tpu.memref_slice %arg5[%run_scoped3A_22, %dma_wait3A_526] : memref<4x128xi32, #tpu.memory_space<vmem>> -> memref<1x128xi32, #tpu.memory_space<vmem>>
        %dma_wait3A_528 = tpu.memref_squeeze %dma_wait3A_527 : memref<1x128xi32, #tpu.memory_space<vmem>> -> memref<128xi32, #tpu.memory_space<vmem>>
        %dma_wait3A_529 = tpu.memref_slice %arg3[%add3A_21] : memref<425984xi32, #tpu.memory_space<hbm>> -> memref<128xi32, #tpu.memory_space<hbm>>
        %dma_wait3A_530 = arith.constant 0 : i32
        %dma_wait3A_531 = tpu.memref_slice %arg5[%run_scoped3A_22, %dma_wait3A_530] : memref<4x128xi32, #tpu.memory_space<vmem>> -> memref<1x128xi32, #tpu.memory_space<vmem>>
        %dma_wait3A_532 = tpu.memref_squeeze %dma_wait3A_531 : memref<1x128xi32, #tpu.memory_space<vmem>> -> memref<128xi32, #tpu.memory_space<vmem>>
        %dma_wait3A_533 = tpu.memref_slice %arg3[%add3A_21] : memref<425984xi32, #tpu.memory_space<hbm>> -> memref<128xi32, #tpu.memory_space<hbm>>
        tpu.wait_dma2 semaphore(%run_scoped3A_517 : memref<!tpu.dma_semaphore, #tpu.memory_space<semaphore_mem>>) src(%dma_wait3A_533 : memref<128xi32, #tpu.memory_space<hbm>>) dst(%dma_wait3A_532 : memref<128xi32, #tpu.memory_space<vmem>>)
        tpu.yield
      }) : () -> ()
      %mul3A_23 = arith.constant 100000 : i32
      %mul3A_24 = arith.muli %scan3A_8, %mul3A_23 : i32
      %get3A = arith.constant 0 : i32
      %get3A_25 = arith.index_cast %get3A : i32 to index
      %get3A_26 = arith.constant 0 : index
      %get3A_27 = tpu.vector_load %arg5[%get3A_25, %get3A_26] {strides = array<i32>} : memref<4x128xi32, #tpu.memory_space<vmem>>, vector<1x16xi32>,
      %get3A_28 = vector.shape_cast %get3A_27 : vector<1x16xi32> to vector<16xi32>
      %add3A_29 = vector.broadcast %mul3A_24 : i32 to vector<16xi32>
      %add3A_30 = arith.addi %get3A_28, %add3A_29 : vector<16xi32>
      %swap3A = arith.constant 0 : i32
      %swap3A_31 = arith.index_cast %swap3A : i32 to index
      %swap3A_32 = arith.constant 0 : index
      %swap3A_33 = tpu.vector_load %arg5[%swap3A_31, %swap3A_32] {strides = array<i32>} : memref<4x128xi32, #tpu.memory_space<vmem>>, vector<1x16xi32>,
      %swap3A_34 = vector.shape_cast %swap3A_33 : vector<1x16xi32> to vector<16xi32>
      %swap3A_35 = vector.shape_cast %add3A_30 : vector<16xi32> to vector<1x16xi32>
      tpu.vector_store %arg5[%swap3A_31, %swap3A_32], %swap3A_35 {strides = array<i32>} : memref<4x128xi32, #tpu.memory_space<vmem>>, vector<1x16xi32>,
      %get3A_36 = arith.constant 0 : i32
      %get3A_37 = arith.index_cast %get3A_36 : i32 to index
      %get3A_38 = arith.constant 16 : index
      %get3A_39 = tpu.vector_load %arg5[%get3A_37, %get3A_38] {strides = array<i32>} : memref<4x128xi32, #tpu.memory_space<vmem>>, vector<1x16xi32>,
      %get3A_40 = vector.shape_cast %get3A_39 : vector<1x16xi32> to vector<16xi32>
      %add3A_41 = vector.broadcast %mul3A_24 : i32 to vector<16xi32>
      %add3A_42 = arith.addi %get3A_40, %add3A_41 : vector<16xi32>
      %swap3A_43 = arith.constant 0 : i32
      %swap3A_44 = arith.index_cast %swap3A_43 : i32 to index
      %swap3A_45 = arith.constant 16 : index
      %swap3A_46 = tpu.vector_load %arg5[%swap3A_44, %swap3A_45] {strides = array<i32>} : memref<4x128xi32, #tpu.memory_space<vmem>>, vector<1x16xi32>,
      %swap3A_47 = vector.shape_cast %swap3A_46 : vector<1x16xi32> to vector<16xi32>
      %swap3A_48 = vector.shape_cast %add3A_42 : vector<16xi32> to vector<1x16xi32>
      tpu.vector_store %arg5[%swap3A_44, %swap3A_45], %swap3A_48 {strides = array<i32>} : memref<4x128xi32, #tpu.memory_space<vmem>>, vector<1x16xi32>,
      %get3A_49 = arith.constant 0 : i32
      %get3A_50 = arith.index_cast %get3A_49 : i32 to index
      %get3A_51 = arith.constant 32 : index
      %get3A_52 = tpu.vector_load %arg5[%get3A_50, %get3A_51] {strides = array<i32>} : memref<4x128xi32, #tpu.memory_space<vmem>>, vector<1x16xi32>,
      %get3A_53 = vector.shape_cast %get3A_52 : vector<1x16xi32> to vector<16xi32>
      %add3A_54 = vector.broadcast %mul3A_24 : i32 to vector<16xi32>
      %add3A_55 = arith.addi %get3A_53, %add3A_54 : vector<16xi32>
      %swap3A_56 = arith.constant 0 : i32
      %swap3A_57 = arith.index_cast %swap3A_56 : i32 to index
      %swap3A_58 = arith.constant 32 : index
      %swap3A_59 = tpu.vector_load %arg5[%swap3A_57, %swap3A_58] {strides = array<i32>} : memref<4x128xi32, #tpu.memory_space<vmem>>, vector<1x16xi32>,
      %swap3A_60 = vector.shape_cast %swap3A_59 : vector<1x16xi32> to vector<16xi32>
      %swap3A_61 = vector.shape_cast %add3A_55 : vector<16xi32> to vector<1x16xi32>
      tpu.vector_store %arg5[%swap3A_57, %swap3A_58], %swap3A_61 {strides = array<i32>} : memref<4x128xi32, #tpu.memory_space<vmem>>, vector<1x16xi32>,
      %get3A_62 = arith.constant 0 : i32
      %get3A_63 = arith.index_cast %get3A_62 : i32 to index
      %get3A_64 = arith.constant 48 : index
      %get3A_65 = tpu.vector_load %arg5[%get3A_63, %get3A_64] {strides = array<i32>} : memref<4x128xi32, #tpu.memory_space<vmem>>, vector<1x16xi32>,
      %get3A_66 = vector.shape_cast %get3A_65 : vector<1x16xi32> to vector<16xi32>
      %add3A_67 = vector.broadcast %mul3A_24 : i32 to vector<16xi32>
      %add3A_68 = arith.addi %get3A_66, %add3A_67 : vector<16xi32>
      %swap3A_69 = arith.constant 0 : i32
      %swap3A_70 = arith.index_cast %swap3A_69 : i32 to index
      %swap3A_71 = arith.constant 48 : index
      %swap3A_72 = tpu.vector_load %arg5[%swap3A_70, %swap3A_71] {strides = array<i32>} : memref<4x128xi32, #tpu.memory_space<vmem>>, vector<1x16xi32>,
      %swap3A_73 = vector.shape_cast %swap3A_72 : vector<1x16xi32> to vector<16xi32>
      %swap3A_74 = vector.shape_cast %add3A_68 : vector<16xi32> to vector<1x16xi32>
      tpu.vector_store %arg5[%swap3A_70, %swap3A_71], %swap3A_74 {strides = array<i32>} : memref<4x128xi32, #tpu.memory_space<vmem>>, vector<1x16xi32>,
      %get3A_75 = arith.constant 0 : i32
      %get3A_76 = arith.index_cast %get3A_75 : i32 to index
      %get3A_77 = arith.constant 64 : index
      %get3A_78 = tpu.vector_load %arg5[%get3A_76, %get3A_77] {strides = array<i32>} : memref<4x128xi32, #tpu.memory_space<vmem>>, vector<1x16xi32>,
      %get3A_79 = vector.shape_cast %get3A_78 : vector<1x16xi32> to vector<16xi32>
      %add3A_80 = vector.broadcast %mul3A_24 : i32 to vector<16xi32>
      %add3A_81 = arith.addi %get3A_79, %add3A_80 : vector<16xi32>
      %swap3A_82 = arith.constant 0 : i32
      %swap3A_83 = arith.index_cast %swap3A_82 : i32 to index
      %swap3A_84 = arith.constant 64 : index
      %swap3A_85 = tpu.vector_load %arg5[%swap3A_83, %swap3A_84] {strides = array<i32>} : memref<4x128xi32, #tpu.memory_space<vmem>>, vector<1x16xi32>,
      %swap3A_86 = vector.shape_cast %swap3A_85 : vector<1x16xi32> to vector<16xi32>
      %swap3A_87 = vector.shape_cast %add3A_81 : vector<16xi32> to vector<1x16xi32>
      tpu.vector_store %arg5[%swap3A_83, %swap3A_84], %swap3A_87 {strides = array<i32>} : memref<4x128xi32, #tpu.memory_space<vmem>>, vector<1x16xi32>,
      %get3A_88 = arith.constant 0 : i32
      %get3A_89 = arith.index_cast %get3A_88 : i32 to index
      %get3A_90 = arith.constant 80 : index
      %get3A_91 = tpu.vector_load %arg5[%get3A_89, %get3A_90] {strides = array<i32>} : memref<4x128xi32, #tpu.memory_space<vmem>>, vector<1x16xi32>,
      %get3A_92 = vector.shape_cast %get3A_91 : vector<1x16xi32> to vector<16xi32>
      %add3A_93 = vector.broadcast %mul3A_24 : i32 to vector<16xi32>
      %add3A_94 = arith.addi %get3A_92, %add3A_93 : vector<16xi32>
      %swap3A_95 = arith.constant 0 : i32
      %swap3A_96 = arith.index_cast %swap3A_95 : i32 to index
      %swap3A_97 = arith.constant 80 : index
      %swap3A_98 = tpu.vector_load %arg5[%swap3A_96, %swap3A_97] {strides = array<i32>} : memref<4x128xi32, #tpu.memory_space<vmem>>, vector<1x16xi32>,
      %swap3A_99 = vector.shape_cast %swap3A_98 : vector<1x16xi32> to vector<16xi32>
      %swap3A_100 = vector.shape_cast %add3A_94 : vector<16xi32> to vector<1x16xi32>
      tpu.vector_store %arg5[%swap3A_96, %swap3A_97], %swap3A_100 {strides = array<i32>} : memref<4x128xi32, #tpu.memory_space<vmem>>, vector<1x16xi32>,
      %get3A_101 = arith.constant 0 : i32
      %get3A_102 = arith.index_cast %get3A_101 : i32 to index
      %get3A_103 = arith.constant 96 : index
      %get3A_104 = tpu.vector_load %arg5[%get3A_102, %get3A_103] {strides = array<i32>} : memref<4x128xi32, #tpu.memory_space<vmem>>, vector<1x16xi32>,
      %get3A_105 = vector.shape_cast %get3A_104 : vector<1x16xi32> to vector<16xi32>
      %add3A_106 = vector.broadcast %mul3A_24 : i32 to vector<16xi32>
      %add3A_107 = arith.addi %get3A_105, %add3A_106 : vector<16xi32>
      %swap3A_108 = arith.constant 0 : i32
      %swap3A_109 = arith.index_cast %swap3A_108 : i32 to index
      %swap3A_110 = arith.constant 96 : index
      %swap3A_111 = tpu.vector_load %arg5[%swap3A_109, %swap3A_110] {strides = array<i32>} : memref<4x128xi32, #tpu.memory_space<vmem>>, vector<1x16xi32>,
      %swap3A_112 = vector.shape_cast %swap3A_111 : vector<1x16xi32> to vector<16xi32>
      %swap3A_113 = vector.shape_cast %add3A_107 : vector<16xi32> to vector<1x16xi32>
      tpu.vector_store %arg5[%swap3A_109, %swap3A_110], %swap3A_113 {strides = array<i32>} : memref<4x128xi32, #tpu.memory_space<vmem>>, vector<1x16xi32>,
      %get3A_114 = arith.constant 0 : i32
      %get3A_115 = arith.index_cast %get3A_114 : i32 to index
      %get3A_116 = arith.constant 112 : index
      %get3A_117 = tpu.vector_load %arg5[%get3A_115, %get3A_116] {strides = array<i32>} : memref<4x128xi32, #tpu.memory_space<vmem>>, vector<1x16xi32>,
      %get3A_118 = vector.shape_cast %get3A_117 : vector<1x16xi32> to vector<16xi32>
      %add3A_119 = vector.broadcast %mul3A_24 : i32 to vector<16xi32>
      %add3A_120 = arith.addi %get3A_118, %add3A_119 : vector<16xi32>
      %swap3A_121 = arith.constant 0 : i32
      %swap3A_122 = arith.index_cast %swap3A_121 : i32 to index
      %swap3A_123 = arith.constant 112 : index
      %swap3A_124 = tpu.vector_load %arg5[%swap3A_122, %swap3A_123] {strides = array<i32>} : memref<4x128xi32, #tpu.memory_space<vmem>>, vector<1x16xi32>,
      %swap3A_125 = vector.shape_cast %swap3A_124 : vector<1x16xi32> to vector<16xi32>
      %swap3A_126 = vector.shape_cast %add3A_120 : vector<16xi32> to vector<1x16xi32>
      tpu.vector_store %arg5[%swap3A_122, %swap3A_123], %swap3A_126 {strides = array<i32>} : memref<4x128xi32, #tpu.memory_space<vmem>>, vector<1x16xi32>,
      %get3A_127 = arith.constant 1 : i32
      %get3A_128 = arith.index_cast %get3A_127 : i32 to index
      %get3A_129 = arith.constant 0 : index
      %get3A_130 = tpu.vector_load %arg5[%get3A_128, %get3A_129] {strides = array<i32>} : memref<4x128xi32, #tpu.memory_space<vmem>>, vector<1x16xi32>,
      %get3A_131 = vector.shape_cast %get3A_130 : vector<1x16xi32> to vector<16xi32>
      %add3A_132 = vector.broadcast %mul3A_24 : i32 to vector<16xi32>
      %add3A_133 = arith.addi %get3A_131, %add3A_132 : vector<16xi32>
      %swap3A_134 = arith.constant 1 : i32
      %swap3A_135 = arith.index_cast %swap3A_134 : i32 to index
      %swap3A_136 = arith.constant 0 : index
      %swap3A_137 = tpu.vector_load %arg5[%swap3A_135, %swap3A_136] {strides = array<i32>} : memref<4x128xi32, #tpu.memory_space<vmem>>, vector<1x16xi32>,
      %swap3A_138 = vector.shape_cast %swap3A_137 : vector<1x16xi32> to vector<16xi32>
      %swap3A_139 = vector.shape_cast %add3A_133 : vector<16xi32> to vector<1x16xi32>
      tpu.vector_store %arg5[%swap3A_135, %swap3A_136], %swap3A_139 {strides = array<i32>} : memref<4x128xi32, #tpu.memory_space<vmem>>, vector<1x16xi32>,
      %get3A_140 = arith.constant 1 : i32
      %get3A_141 = arith.index_cast %get3A_140 : i32 to index
      %get3A_142 = arith.constant 16 : index
      %get3A_143 = tpu.vector_load %arg5[%get3A_141, %get3A_142] {strides = array<i32>} : memref<4x128xi32, #tpu.memory_space<vmem>>, vector<1x16xi32>,
      %get3A_144 = vector.shape_cast %get3A_143 : vector<1x16xi32> to vector<16xi32>
      %add3A_145 = vector.broadcast %mul3A_24 : i32 to vector<16xi32>
      %add3A_146 = arith.addi %get3A_144, %add3A_145 : vector<16xi32>
      %swap3A_147 = arith.constant 1 : i32
      %swap3A_148 = arith.index_cast %swap3A_147 : i32 to index
      %swap3A_149 = arith.constant 16 : index
      %swap3A_150 = tpu.vector_load %arg5[%swap3A_148, %swap3A_149] {strides = array<i32>} : memref<4x128xi32, #tpu.memory_space<vmem>>, vector<1x16xi32>,
      %swap3A_151 = vector.shape_cast %swap3A_150 : vector<1x16xi32> to vector<16xi32>
      %swap3A_152 = vector.shape_cast %add3A_146 : vector<16xi32> to vector<1x16xi32>
      tpu.vector_store %arg5[%swap3A_148, %swap3A_149], %swap3A_152 {strides = array<i32>} : memref<4x128xi32, #tpu.memory_space<vmem>>, vector<1x16xi32>,
      %get3A_153 = arith.constant 1 : i32
      %get3A_154 = arith.index_cast %get3A_153 : i32 to index
      %get3A_155 = arith.constant 32 : index
      %get3A_156 = tpu.vector_load %arg5[%get3A_154, %get3A_155] {strides = array<i32>} : memref<4x128xi32, #tpu.memory_space<vmem>>, vector<1x16xi32>,
      %get3A_157 = vector.shape_cast %get3A_156 : vector<1x16xi32> to vector<16xi32>
      %add3A_158 = vector.broadcast %mul3A_24 : i32 to vector<16xi32>
      %add3A_159 = arith.addi %get3A_157, %add3A_158 : vector<16xi32>
      %swap3A_160 = arith.constant 1 : i32
      %swap3A_161 = arith.index_cast %swap3A_160 : i32 to index
      %swap3A_162 = arith.constant 32 : index
      %swap3A_163 = tpu.vector_load %arg5[%swap3A_161, %swap3A_162] {strides = array<i32>} : memref<4x128xi32, #tpu.memory_space<vmem>>, vector<1x16xi32>,
      %swap3A_164 = vector.shape_cast %swap3A_163 : vector<1x16xi32> to vector<16xi32>
      %swap3A_165 = vector.shape_cast %add3A_159 : vector<16xi32> to vector<1x16xi32>
      tpu.vector_store %arg5[%swap3A_161, %swap3A_162], %swap3A_165 {strides = array<i32>} : memref<4x128xi32, #tpu.memory_space<vmem>>, vector<1x16xi32>,
      %get3A_166 = arith.constant 1 : i32
      %get3A_167 = arith.index_cast %get3A_166 : i32 to index
      %get3A_168 = arith.constant 48 : index
      %get3A_169 = tpu.vector_load %arg5[%get3A_167, %get3A_168] {strides = array<i32>} : memref<4x128xi32, #tpu.memory_space<vmem>>, vector<1x16xi32>,
      %get3A_170 = vector.shape_cast %get3A_169 : vector<1x16xi32> to vector<16xi32>
      %add3A_171 = vector.broadcast %mul3A_24 : i32 to vector<16xi32>
      %add3A_172 = arith.addi %get3A_170, %add3A_171 : vector<16xi32>
      %swap3A_173 = arith.constant 1 : i32
      %swap3A_174 = arith.index_cast %swap3A_173 : i32 to index
      %swap3A_175 = arith.constant 48 : index
      %swap3A_176 = tpu.vector_load %arg5[%swap3A_174, %swap3A_175] {strides = array<i32>} : memref<4x128xi32, #tpu.memory_space<vmem>>, vector<1x16xi32>,
      %swap3A_177 = vector.shape_cast %swap3A_176 : vector<1x16xi32> to vector<16xi32>
      %swap3A_178 = vector.shape_cast %add3A_172 : vector<16xi32> to vector<1x16xi32>
      tpu.vector_store %arg5[%swap3A_174, %swap3A_175], %swap3A_178 {strides = array<i32>} : memref<4x128xi32, #tpu.memory_space<vmem>>, vector<1x16xi32>,
      %get3A_179 = arith.constant 1 : i32
      %get3A_180 = arith.index_cast %get3A_179 : i32 to index
      %get3A_181 = arith.constant 64 : index
      %get3A_182 = tpu.vector_load %arg5[%get3A_180, %get3A_181] {strides = array<i32>} : memref<4x128xi32, #tpu.memory_space<vmem>>, vector<1x16xi32>,
      %get3A_183 = vector.shape_cast %get3A_182 : vector<1x16xi32> to vector<16xi32>
      %add3A_184 = vector.broadcast %mul3A_24 : i32 to vector<16xi32>
      %add3A_185 = arith.addi %get3A_183, %add3A_184 : vector<16xi32>
      %swap3A_186 = arith.constant 1 : i32
      %swap3A_187 = arith.index_cast %swap3A_186 : i32 to index
      %swap3A_188 = arith.constant 64 : index
      %swap3A_189 = tpu.vector_load %arg5[%swap3A_187, %swap3A_188] {strides = array<i32>} : memref<4x128xi32, #tpu.memory_space<vmem>>, vector<1x16xi32>,
      %swap3A_190 = vector.shape_cast %swap3A_189 : vector<1x16xi32> to vector<16xi32>
      %swap3A_191 = vector.shape_cast %add3A_185 : vector<16xi32> to vector<1x16xi32>
      tpu.vector_store %arg5[%swap3A_187, %swap3A_188], %swap3A_191 {strides = array<i32>} : memref<4x128xi32, #tpu.memory_space<vmem>>, vector<1x16xi32>,
      %get3A_192 = arith.constant 1 : i32
      %get3A_193 = arith.index_cast %get3A_192 : i32 to index
      %get3A_194 = arith.constant 80 : index
      %get3A_195 = tpu.vector_load %arg5[%get3A_193, %get3A_194] {strides = array<i32>} : memref<4x128xi32, #tpu.memory_space<vmem>>, vector<1x16xi32>,
      %get3A_196 = vector.shape_cast %get3A_195 : vector<1x16xi32> to vector<16xi32>
      %add3A_197 = vector.broadcast %mul3A_24 : i32 to vector<16xi32>
      %add3A_198 = arith.addi %get3A_196, %add3A_197 : vector<16xi32>
      %swap3A_199 = arith.constant 1 : i32
      %swap3A_200 = arith.index_cast %swap3A_199 : i32 to index
      %swap3A_201 = arith.constant 80 : index
      %swap3A_202 = tpu.vector_load %arg5[%swap3A_200, %swap3A_201] {strides = array<i32>} : memref<4x128xi32, #tpu.memory_space<vmem>>, vector<1x16xi32>,
      %swap3A_203 = vector.shape_cast %swap3A_202 : vector<1x16xi32> to vector<16xi32>
      %swap3A_204 = vector.shape_cast %add3A_198 : vector<16xi32> to vector<1x16xi32>
      tpu.vector_store %arg5[%swap3A_200, %swap3A_201], %swap3A_204 {strides = array<i32>} : memref<4x128xi32, #tpu.memory_space<vmem>>, vector<1x16xi32>,
      %get3A_205 = arith.constant 1 : i32
      %get3A_206 = arith.index_cast %get3A_205 : i32 to index
      %get3A_207 = arith.constant 96 : index
      %get3A_208 = tpu.vector_load %arg5[%get3A_206, %get3A_207] {strides = array<i32>} : memref<4x128xi32, #tpu.memory_space<vmem>>, vector<1x16xi32>,
      %get3A_209 = vector.shape_cast %get3A_208 : vector<1x16xi32> to vector<16xi32>
      %add3A_210 = vector.broadcast %mul3A_24 : i32 to vector<16xi32>
      %add3A_211 = arith.addi %get3A_209, %add3A_210 : vector<16xi32>
      %swap3A_212 = arith.constant 1 : i32
      %swap3A_213 = arith.index_cast %swap3A_212 : i32 to index
      %swap3A_214 = arith.constant 96 : index
      %swap3A_215 = tpu.vector_load %arg5[%swap3A_213, %swap3A_214] {strides = array<i32>} : memref<4x128xi32, #tpu.memory_space<vmem>>, vector<1x16xi32>,
      %swap3A_216 = vector.shape_cast %swap3A_215 : vector<1x16xi32> to vector<16xi32>
      %swap3A_217 = vector.shape_cast %add3A_211 : vector<16xi32> to vector<1x16xi32>
      tpu.vector_store %arg5[%swap3A_213, %swap3A_214], %swap3A_217 {strides = array<i32>} : memref<4x128xi32, #tpu.memory_space<vmem>>, vector<1x16xi32>,
      %get3A_218 = arith.constant 1 : i32
      %get3A_219 = arith.index_cast %get3A_218 : i32 to index
      %get3A_220 = arith.constant 112 : index
      %get3A_221 = tpu.vector_load %arg5[%get3A_219, %get3A_220] {strides = array<i32>} : memref<4x128xi32, #tpu.memory_space<vmem>>, vector<1x16xi32>,
      %get3A_222 = vector.shape_cast %get3A_221 : vector<1x16xi32> to vector<16xi32>
      %add3A_223 = vector.broadcast %mul3A_24 : i32 to vector<16xi32>
      %add3A_224 = arith.addi %get3A_222, %add3A_223 : vector<16xi32>
      %swap3A_225 = arith.constant 1 : i32
      %swap3A_226 = arith.index_cast %swap3A_225 : i32 to index
      %swap3A_227 = arith.constant 112 : index
      %swap3A_228 = tpu.vector_load %arg5[%swap3A_226, %swap3A_227] {strides = array<i32>} : memref<4x128xi32, #tpu.memory_space<vmem>>, vector<1x16xi32>,
      %swap3A_229 = vector.shape_cast %swap3A_228 : vector<1x16xi32> to vector<16xi32>
      %swap3A_230 = vector.shape_cast %add3A_224 : vector<16xi32> to vector<1x16xi32>
      tpu.vector_store %arg5[%swap3A_226, %swap3A_227], %swap3A_230 {strides = array<i32>} : memref<4x128xi32, #tpu.memory_space<vmem>>, vector<1x16xi32>,
      %get3A_231 = arith.constant 2 : i32
      %get3A_232 = arith.index_cast %get3A_231 : i32 to index
      %get3A_233 = arith.constant 0 : index
      %get3A_234 = tpu.vector_load %arg5[%get3A_232, %get3A_233] {strides = array<i32>} : memref<4x128xi32, #tpu.memory_space<vmem>>, vector<1x16xi32>,
      %get3A_235 = vector.shape_cast %get3A_234 : vector<1x16xi32> to vector<16xi32>
      %add3A_236 = vector.broadcast %mul3A_24 : i32 to vector<16xi32>
      %add3A_237 = arith.addi %get3A_235, %add3A_236 : vector<16xi32>
      %swap3A_238 = arith.constant 2 : i32
      %swap3A_239 = arith.index_cast %swap3A_238 : i32 to index
      %swap3A_240 = arith.constant 0 : index
      %swap3A_241 = tpu.vector_load %arg5[%swap3A_239, %swap3A_240] {strides = array<i32>} : memref<4x128xi32, #tpu.memory_space<vmem>>, vector<1x16xi32>,
      %swap3A_242 = vector.shape_cast %swap3A_241 : vector<1x16xi32> to vector<16xi32>
      %swap3A_243 = vector.shape_cast %add3A_237 : vector<16xi32> to vector<1x16xi32>
      tpu.vector_store %arg5[%swap3A_239, %swap3A_240], %swap3A_243 {strides = array<i32>} : memref<4x128xi32, #tpu.memory_space<vmem>>, vector<1x16xi32>,
      %get3A_244 = arith.constant 2 : i32
      %get3A_245 = arith.index_cast %get3A_244 : i32 to index
      %get3A_246 = arith.constant 16 : index
      %get3A_247 = tpu.vector_load %arg5[%get3A_245, %get3A_246] {strides = array<i32>} : memref<4x128xi32, #tpu.memory_space<vmem>>, vector<1x16xi32>,
      %get3A_248 = vector.shape_cast %get3A_247 : vector<1x16xi32> to vector<16xi32>
      %add3A_249 = vector.broadcast %mul3A_24 : i32 to vector<16xi32>
      %add3A_250 = arith.addi %get3A_248, %add3A_249 : vector<16xi32>
      %swap3A_251 = arith.constant 2 : i32
      %swap3A_252 = arith.index_cast %swap3A_251 : i32 to index
      %swap3A_253 = arith.constant 16 : index
      %swap3A_254 = tpu.vector_load %arg5[%swap3A_252, %swap3A_253] {strides = array<i32>} : memref<4x128xi32, #tpu.memory_space<vmem>>, vector<1x16xi32>,
      %swap3A_255 = vector.shape_cast %swap3A_254 : vector<1x16xi32> to vector<16xi32>
      %swap3A_256 = vector.shape_cast %add3A_250 : vector<16xi32> to vector<1x16xi32>
      tpu.vector_store %arg5[%swap3A_252, %swap3A_253], %swap3A_256 {strides = array<i32>} : memref<4x128xi32, #tpu.memory_space<vmem>>, vector<1x16xi32>,
      %get3A_257 = arith.constant 2 : i32
      %get3A_258 = arith.index_cast %get3A_257 : i32 to index
      %get3A_259 = arith.constant 32 : index
      %get3A_260 = tpu.vector_load %arg5[%get3A_258, %get3A_259] {strides = array<i32>} : memref<4x128xi32, #tpu.memory_space<vmem>>, vector<1x16xi32>,
      %get3A_261 = vector.shape_cast %get3A_260 : vector<1x16xi32> to vector<16xi32>
      %add3A_262 = vector.broadcast %mul3A_24 : i32 to vector<16xi32>
      %add3A_263 = arith.addi %get3A_261, %add3A_262 : vector<16xi32>
      %swap3A_264 = arith.constant 2 : i32
      %swap3A_265 = arith.index_cast %swap3A_264 : i32 to index
      %swap3A_266 = arith.constant 32 : index
      %swap3A_267 = tpu.vector_load %arg5[%swap3A_265, %swap3A_266] {strides = array<i32>} : memref<4x128xi32, #tpu.memory_space<vmem>>, vector<1x16xi32>,
      %swap3A_268 = vector.shape_cast %swap3A_267 : vector<1x16xi32> to vector<16xi32>
      %swap3A_269 = vector.shape_cast %add3A_263 : vector<16xi32> to vector<1x16xi32>
      tpu.vector_store %arg5[%swap3A_265, %swap3A_266], %swap3A_269 {strides = array<i32>} : memref<4x128xi32, #tpu.memory_space<vmem>>, vector<1x16xi32>,
      %get3A_270 = arith.constant 2 : i32
      %get3A_271 = arith.index_cast %get3A_270 : i32 to index
      %get3A_272 = arith.constant 48 : index
      %get3A_273 = tpu.vector_load %arg5[%get3A_271, %get3A_272] {strides = array<i32>} : memref<4x128xi32, #tpu.memory_space<vmem>>, vector<1x16xi32>,
      %get3A_274 = vector.shape_cast %get3A_273 : vector<1x16xi32> to vector<16xi32>
      %add3A_275 = vector.broadcast %mul3A_24 : i32 to vector<16xi32>
      %add3A_276 = arith.addi %get3A_274, %add3A_275 : vector<16xi32>
      %swap3A_277 = arith.constant 2 : i32
      %swap3A_278 = arith.index_cast %swap3A_277 : i32 to index
      %swap3A_279 = arith.constant 48 : index
      %swap3A_280 = tpu.vector_load %arg5[%swap3A_278, %swap3A_279] {strides = array<i32>} : memref<4x128xi32, #tpu.memory_space<vmem>>, vector<1x16xi32>,
      %swap3A_281 = vector.shape_cast %swap3A_280 : vector<1x16xi32> to vector<16xi32>
      %swap3A_282 = vector.shape_cast %add3A_276 : vector<16xi32> to vector<1x16xi32>
      tpu.vector_store %arg5[%swap3A_278, %swap3A_279], %swap3A_282 {strides = array<i32>} : memref<4x128xi32, #tpu.memory_space<vmem>>, vector<1x16xi32>,
      %get3A_283 = arith.constant 2 : i32
      %get3A_284 = arith.index_cast %get3A_283 : i32 to index
      %get3A_285 = arith.constant 64 : index
      %get3A_286 = tpu.vector_load %arg5[%get3A_284, %get3A_285] {strides = array<i32>} : memref<4x128xi32, #tpu.memory_space<vmem>>, vector<1x16xi32>,
      %get3A_287 = vector.shape_cast %get3A_286 : vector<1x16xi32> to vector<16xi32>
      %add3A_288 = vector.broadcast %mul3A_24 : i32 to vector<16xi32>
      %add3A_289 = arith.addi %get3A_287, %add3A_288 : vector<16xi32>
      %swap3A_290 = arith.constant 2 : i32
      %swap3A_291 = arith.index_cast %swap3A_290 : i32 to index
      %swap3A_292 = arith.constant 64 : index
      %swap3A_293 = tpu.vector_load %arg5[%swap3A_291, %swap3A_292] {strides = array<i32>} : memref<4x128xi32, #tpu.memory_space<vmem>>, vector<1x16xi32>,
      %swap3A_294 = vector.shape_cast %swap3A_293 : vector<1x16xi32> to vector<16xi32>
      %swap3A_295 = vector.shape_cast %add3A_289 : vector<16xi32> to vector<1x16xi32>
      tpu.vector_store %arg5[%swap3A_291, %swap3A_292], %swap3A_295 {strides = array<i32>} : memref<4x128xi32, #tpu.memory_space<vmem>>, vector<1x16xi32>,
      %get3A_296 = arith.constant 2 : i32
      %get3A_297 = arith.index_cast %get3A_296 : i32 to index
      %get3A_298 = arith.constant 80 : index
      %get3A_299 = tpu.vector_load %arg5[%get3A_297, %get3A_298] {strides = array<i32>} : memref<4x128xi32, #tpu.memory_space<vmem>>, vector<1x16xi32>,
      %get3A_300 = vector.shape_cast %get3A_299 : vector<1x16xi32> to vector<16xi32>
      %add3A_301 = vector.broadcast %mul3A_24 : i32 to vector<16xi32>
      %add3A_302 = arith.addi %get3A_300, %add3A_301 : vector<16xi32>
      %swap3A_303 = arith.constant 2 : i32
      %swap3A_304 = arith.index_cast %swap3A_303 : i32 to index
      %swap3A_305 = arith.constant 80 : index
      %swap3A_306 = tpu.vector_load %arg5[%swap3A_304, %swap3A_305] {strides = array<i32>} : memref<4x128xi32, #tpu.memory_space<vmem>>, vector<1x16xi32>,
      %swap3A_307 = vector.shape_cast %swap3A_306 : vector<1x16xi32> to vector<16xi32>
      %swap3A_308 = vector.shape_cast %add3A_302 : vector<16xi32> to vector<1x16xi32>
      tpu.vector_store %arg5[%swap3A_304, %swap3A_305], %swap3A_308 {strides = array<i32>} : memref<4x128xi32, #tpu.memory_space<vmem>>, vector<1x16xi32>,
      %get3A_309 = arith.constant 2 : i32
      %get3A_310 = arith.index_cast %get3A_309 : i32 to index
      %get3A_311 = arith.constant 96 : index
      %get3A_312 = tpu.vector_load %arg5[%get3A_310, %get3A_311] {strides = array<i32>} : memref<4x128xi32, #tpu.memory_space<vmem>>, vector<1x16xi32>,
      %get3A_313 = vector.shape_cast %get3A_312 : vector<1x16xi32> to vector<16xi32>
      %add3A_314 = vector.broadcast %mul3A_24 : i32 to vector<16xi32>
      %add3A_315 = arith.addi %get3A_313, %add3A_314 : vector<16xi32>
      %swap3A_316 = arith.constant 2 : i32
      %swap3A_317 = arith.index_cast %swap3A_316 : i32 to index
      %swap3A_318 = arith.constant 96 : index
      %swap3A_319 = tpu.vector_load %arg5[%swap3A_317, %swap3A_318] {strides = array<i32>} : memref<4x128xi32, #tpu.memory_space<vmem>>, vector<1x16xi32>,
      %swap3A_320 = vector.shape_cast %swap3A_319 : vector<1x16xi32> to vector<16xi32>
      %swap3A_321 = vector.shape_cast %add3A_315 : vector<16xi32> to vector<1x16xi32>
      tpu.vector_store %arg5[%swap3A_317, %swap3A_318], %swap3A_321 {strides = array<i32>} : memref<4x128xi32, #tpu.memory_space<vmem>>, vector<1x16xi32>,
      %get3A_322 = arith.constant 2 : i32
      %get3A_323 = arith.index_cast %get3A_322 : i32 to index
      %get3A_324 = arith.constant 112 : index
      %get3A_325 = tpu.vector_load %arg5[%get3A_323, %get3A_324] {strides = array<i32>} : memref<4x128xi32, #tpu.memory_space<vmem>>, vector<1x16xi32>,
      %get3A_326 = vector.shape_cast %get3A_325 : vector<1x16xi32> to vector<16xi32>
      %add3A_327 = vector.broadcast %mul3A_24 : i32 to vector<16xi32>
      %add3A_328 = arith.addi %get3A_326, %add3A_327 : vector<16xi32>
      %swap3A_329 = arith.constant 2 : i32
      %swap3A_330 = arith.index_cast %swap3A_329 : i32 to index
      %swap3A_331 = arith.constant 112 : index
      %swap3A_332 = tpu.vector_load %arg5[%swap3A_330, %swap3A_331] {strides = array<i32>} : memref<4x128xi32, #tpu.memory_space<vmem>>, vector<1x16xi32>,
      %swap3A_333 = vector.shape_cast %swap3A_332 : vector<1x16xi32> to vector<16xi32>
      %swap3A_334 = vector.shape_cast %add3A_328 : vector<16xi32> to vector<1x16xi32>
      tpu.vector_store %arg5[%swap3A_330, %swap3A_331], %swap3A_334 {strides = array<i32>} : memref<4x128xi32, #tpu.memory_space<vmem>>, vector<1x16xi32>,
      %get3A_335 = arith.constant 3 : i32
      %get3A_336 = arith.index_cast %get3A_335 : i32 to index
      %get3A_337 = arith.constant 0 : index
      %get3A_338 = tpu.vector_load %arg5[%get3A_336, %get3A_337] {strides = array<i32>} : memref<4x128xi32, #tpu.memory_space<vmem>>, vector<1x16xi32>,
      %get3A_339 = vector.shape_cast %get3A_338 : vector<1x16xi32> to vector<16xi32>
      %add3A_340 = vector.broadcast %mul3A_24 : i32 to vector<16xi32>
      %add3A_341 = arith.addi %get3A_339, %add3A_340 : vector<16xi32>
      %swap3A_342 = arith.constant 3 : i32
      %swap3A_343 = arith.index_cast %swap3A_342 : i32 to index
      %swap3A_344 = arith.constant 0 : index
      %swap3A_345 = tpu.vector_load %arg5[%swap3A_343, %swap3A_344] {strides = array<i32>} : memref<4x128xi32, #tpu.memory_space<vmem>>, vector<1x16xi32>,
      %swap3A_346 = vector.shape_cast %swap3A_345 : vector<1x16xi32> to vector<16xi32>
      %swap3A_347 = vector.shape_cast %add3A_341 : vector<16xi32> to vector<1x16xi32>
      tpu.vector_store %arg5[%swap3A_343, %swap3A_344], %swap3A_347 {strides = array<i32>} : memref<4x128xi32, #tpu.memory_space<vmem>>, vector<1x16xi32>,
      %get3A_348 = arith.constant 3 : i32
      %get3A_349 = arith.index_cast %get3A_348 : i32 to index
      %get3A_350 = arith.constant 16 : index
      %get3A_351 = tpu.vector_load %arg5[%get3A_349, %get3A_350] {strides = array<i32>} : memref<4x128xi32, #tpu.memory_space<vmem>>, vector<1x16xi32>,
      %get3A_352 = vector.shape_cast %get3A_351 : vector<1x16xi32> to vector<16xi32>
      %add3A_353 = vector.broadcast %mul3A_24 : i32 to vector<16xi32>
      %add3A_354 = arith.addi %get3A_352, %add3A_353 : vector<16xi32>
      %swap3A_355 = arith.constant 3 : i32
      %swap3A_356 = arith.index_cast %swap3A_355 : i32 to index
      %swap3A_357 = arith.constant 16 : index
      %swap3A_358 = tpu.vector_load %arg5[%swap3A_356, %swap3A_357] {strides = array<i32>} : memref<4x128xi32, #tpu.memory_space<vmem>>, vector<1x16xi32>,
      %swap3A_359 = vector.shape_cast %swap3A_358 : vector<1x16xi32> to vector<16xi32>
      %swap3A_360 = vector.shape_cast %add3A_354 : vector<16xi32> to vector<1x16xi32>
      tpu.vector_store %arg5[%swap3A_356, %swap3A_357], %swap3A_360 {strides = array<i32>} : memref<4x128xi32, #tpu.memory_space<vmem>>, vector<1x16xi32>,
      %get3A_361 = arith.constant 3 : i32
      %get3A_362 = arith.index_cast %get3A_361 : i32 to index
      %get3A_363 = arith.constant 32 : index
      %get3A_364 = tpu.vector_load %arg5[%get3A_362, %get3A_363] {strides = array<i32>} : memref<4x128xi32, #tpu.memory_space<vmem>>, vector<1x16xi32>,
      %get3A_365 = vector.shape_cast %get3A_364 : vector<1x16xi32> to vector<16xi32>
      %add3A_366 = vector.broadcast %mul3A_24 : i32 to vector<16xi32>
      %add3A_367 = arith.addi %get3A_365, %add3A_366 : vector<16xi32>
      %swap3A_368 = arith.constant 3 : i32
      %swap3A_369 = arith.index_cast %swap3A_368 : i32 to index
      %swap3A_370 = arith.constant 32 : index
      %swap3A_371 = tpu.vector_load %arg5[%swap3A_369, %swap3A_370] {strides = array<i32>} : memref<4x128xi32, #tpu.memory_space<vmem>>, vector<1x16xi32>,
      %swap3A_372 = vector.shape_cast %swap3A_371 : vector<1x16xi32> to vector<16xi32>
      %swap3A_373 = vector.shape_cast %add3A_367 : vector<16xi32> to vector<1x16xi32>
      tpu.vector_store %arg5[%swap3A_369, %swap3A_370], %swap3A_373 {strides = array<i32>} : memref<4x128xi32, #tpu.memory_space<vmem>>, vector<1x16xi32>,
      %get3A_374 = arith.constant 3 : i32
      %get3A_375 = arith.index_cast %get3A_374 : i32 to index
      %get3A_376 = arith.constant 48 : index
      %get3A_377 = tpu.vector_load %arg5[%get3A_375, %get3A_376] {strides = array<i32>} : memref<4x128xi32, #tpu.memory_space<vmem>>, vector<1x16xi32>,
      %get3A_378 = vector.shape_cast %get3A_377 : vector<1x16xi32> to vector<16xi32>
      %add3A_379 = vector.broadcast %mul3A_24 : i32 to vector<16xi32>
      %add3A_380 = arith.addi %get3A_378, %add3A_379 : vector<16xi32>
      %swap3A_381 = arith.constant 3 : i32
      %swap3A_382 = arith.index_cast %swap3A_381 : i32 to index
      %swap3A_383 = arith.constant 48 : index
      %swap3A_384 = tpu.vector_load %arg5[%swap3A_382, %swap3A_383] {strides = array<i32>} : memref<4x128xi32, #tpu.memory_space<vmem>>, vector<1x16xi32>,
      %swap3A_385 = vector.shape_cast %swap3A_384 : vector<1x16xi32> to vector<16xi32>
      %swap3A_386 = vector.shape_cast %add3A_380 : vector<16xi32> to vector<1x16xi32>
      tpu.vector_store %arg5[%swap3A_382, %swap3A_383], %swap3A_386 {strides = array<i32>} : memref<4x128xi32, #tpu.memory_space<vmem>>, vector<1x16xi32>,
      %get3A_387 = arith.constant 3 : i32
      %get3A_388 = arith.index_cast %get3A_387 : i32 to index
      %get3A_389 = arith.constant 64 : index
      %get3A_390 = tpu.vector_load %arg5[%get3A_388, %get3A_389] {strides = array<i32>} : memref<4x128xi32, #tpu.memory_space<vmem>>, vector<1x16xi32>,
      %get3A_391 = vector.shape_cast %get3A_390 : vector<1x16xi32> to vector<16xi32>
      %add3A_392 = vector.broadcast %mul3A_24 : i32 to vector<16xi32>
      %add3A_393 = arith.addi %get3A_391, %add3A_392 : vector<16xi32>
      %swap3A_394 = arith.constant 3 : i32
      %swap3A_395 = arith.index_cast %swap3A_394 : i32 to index
      %swap3A_396 = arith.constant 64 : index
      %swap3A_397 = tpu.vector_load %arg5[%swap3A_395, %swap3A_396] {strides = array<i32>} : memref<4x128xi32, #tpu.memory_space<vmem>>, vector<1x16xi32>,
      %swap3A_398 = vector.shape_cast %swap3A_397 : vector<1x16xi32> to vector<16xi32>
      %swap3A_399 = vector.shape_cast %add3A_393 : vector<16xi32> to vector<1x16xi32>
      tpu.vector_store %arg5[%swap3A_395, %swap3A_396], %swap3A_399 {strides = array<i32>} : memref<4x128xi32, #tpu.memory_space<vmem>>, vector<1x16xi32>,
      %get3A_400 = arith.constant 3 : i32
      %get3A_401 = arith.index_cast %get3A_400 : i32 to index
      %get3A_402 = arith.constant 80 : index
      %get3A_403 = tpu.vector_load %arg5[%get3A_401, %get3A_402] {strides = array<i32>} : memref<4x128xi32, #tpu.memory_space<vmem>>, vector<1x16xi32>,
      %get3A_404 = vector.shape_cast %get3A_403 : vector<1x16xi32> to vector<16xi32>
      %add3A_405 = vector.broadcast %mul3A_24 : i32 to vector<16xi32>
      %add3A_406 = arith.addi %get3A_404, %add3A_405 : vector<16xi32>
      %swap3A_407 = arith.constant 3 : i32
      %swap3A_408 = arith.index_cast %swap3A_407 : i32 to index
      %swap3A_409 = arith.constant 80 : index
      %swap3A_410 = tpu.vector_load %arg5[%swap3A_408, %swap3A_409] {strides = array<i32>} : memref<4x128xi32, #tpu.memory_space<vmem>>, vector<1x16xi32>,
      %swap3A_411 = vector.shape_cast %swap3A_410 : vector<1x16xi32> to vector<16xi32>
      %swap3A_412 = vector.shape_cast %add3A_406 : vector<16xi32> to vector<1x16xi32>
      tpu.vector_store %arg5[%swap3A_408, %swap3A_409], %swap3A_412 {strides = array<i32>} : memref<4x128xi32, #tpu.memory_space<vmem>>, vector<1x16xi32>,
      %get3A_413 = arith.constant 3 : i32
      %get3A_414 = arith.index_cast %get3A_413 : i32 to index
      %get3A_415 = arith.constant 96 : index
      %get3A_416 = tpu.vector_load %arg5[%get3A_414, %get3A_415] {strides = array<i32>} : memref<4x128xi32, #tpu.memory_space<vmem>>, vector<1x16xi32>,
      %get3A_417 = vector.shape_cast %get3A_416 : vector<1x16xi32> to vector<16xi32>
      %add3A_418 = vector.broadcast %mul3A_24 : i32 to vector<16xi32>
      %add3A_419 = arith.addi %get3A_417, %add3A_418 : vector<16xi32>
      %swap3A_420 = arith.constant 3 : i32
      %swap3A_421 = arith.index_cast %swap3A_420 : i32 to index
      %swap3A_422 = arith.constant 96 : index
      %swap3A_423 = tpu.vector_load %arg5[%swap3A_421, %swap3A_422] {strides = array<i32>} : memref<4x128xi32, #tpu.memory_space<vmem>>, vector<1x16xi32>,
      %swap3A_424 = vector.shape_cast %swap3A_423 : vector<1x16xi32> to vector<16xi32>
      %swap3A_425 = vector.shape_cast %add3A_419 : vector<16xi32> to vector<1x16xi32>
      tpu.vector_store %arg5[%swap3A_421, %swap3A_422], %swap3A_425 {strides = array<i32>} : memref<4x128xi32, #tpu.memory_space<vmem>>, vector<1x16xi32>,
      %get3A_426 = arith.constant 3 : i32
      %get3A_427 = arith.index_cast %get3A_426 : i32 to index
      %get3A_428 = arith.constant 112 : index
      %get3A_429 = tpu.vector_load %arg5[%get3A_427, %get3A_428] {strides = array<i32>} : memref<4x128xi32, #tpu.memory_space<vmem>>, vector<1x16xi32>,
      %get3A_430 = vector.shape_cast %get3A_429 : vector<1x16xi32> to vector<16xi32>
      %add3A_431 = vector.broadcast %mul3A_24 : i32 to vector<16xi32>
      %add3A_432 = arith.addi %get3A_430, %add3A_431 : vector<16xi32>
      %swap3A_433 = arith.constant 3 : i32
      %swap3A_434 = arith.index_cast %swap3A_433 : i32 to index
      %swap3A_435 = arith.constant 112 : index
      %swap3A_436 = tpu.vector_load %arg5[%swap3A_434, %swap3A_435] {strides = array<i32>} : memref<4x128xi32, #tpu.memory_space<vmem>>, vector<1x16xi32>,
      %swap3A_437 = vector.shape_cast %swap3A_436 : vector<1x16xi32> to vector<16xi32>
      %swap3A_438 = vector.shape_cast %add3A_432 : vector<16xi32> to vector<1x16xi32>
      tpu.vector_store %arg5[%swap3A_434, %swap3A_435], %swap3A_438 {strides = array<i32>} : memref<4x128xi32, #tpu.memory_space<vmem>>, vector<1x16xi32>,
      %dma_start3A = arith.constant 0 : i32
      %dma_start3A_439 = arith.constant 0 : i32
      %dma_start3A_440 = arith.constant 0 : i32
      %dma_start3A_441 = tpu.memref_slice %arg6[%dma_start3A_439, %dma_start3A_440] : memref<512x16xf32, #tpu.memory_space<vmem>> -> memref<128x16xf32, #tpu.memory_space<vmem>>
      %dma_start3A_442 = arith.constant 0 : i32
      %dma_start3A_443 = tpu.memref_slice %arg5[%dma_start3A, %dma_start3A_442] : memref<4x128xi32, #tpu.memory_space<vmem>> -> memref<1x128xi32, #tpu.memory_space<vmem>>
      %dma_start3A_444 = tpu.memref_squeeze %dma_start3A_443 : memref<1x128xi32, #tpu.memory_space<vmem>> -> memref<128xi32, #tpu.memory_space<vmem>>
      %dma_start3A_445 = arith.constant 0 : i32
      %dma_start3A_446 = arith.constant 0 : i32
      %dma_start3A_447 = tpu.memref_slice %arg2[%dma_start3A_445, %dma_start3A_446] : memref<2600000x16xf32, #tpu.memory_space<hbm>> -> memref<2600000x16xf32, #tpu.memory_space<hbm>>
      tpu.enqueue_indirect_dma source(%dma_start3A_447 : memref<2600000x16xf32, #tpu.memory_space<hbm>>) target(%dma_start3A_441 : memref<128x16xf32, #tpu.memory_space<vmem>>) offsets(%dma_start3A_444 : memref<128xi32, #tpu.memory_space<vmem>>) semaphore(%arg7 : memref<!tpu.dma_semaphore, #tpu.memory_space<semaphore_mem>>)
      %dma_start3A_448 = arith.constant 1 : i32
      %dma_start3A_449 = arith.constant 128 : i32
      %dma_start3A_450 = arith.constant 0 : i32
      %dma_start3A_451 = tpu.memref_slice %arg6[%dma_start3A_449, %dma_start3A_450] : memref<512x16xf32, #tpu.memory_space<vmem>> -> memref<128x16xf32, #tpu.memory_space<vmem>>
      %dma_start3A_452 = arith.constant 0 : i32
      %dma_start3A_453 = tpu.memref_slice %arg5[%dma_start3A_448, %dma_start3A_452] : memref<4x128xi32, #tpu.memory_space<vmem>> -> memref<1x128xi32, #tpu.memory_space<vmem>>
      %dma_start3A_454 = tpu.memref_squeeze %dma_start3A_453 : memref<1x128xi32, #tpu.memory_space<vmem>> -> memref<128xi32, #tpu.memory_space<vmem>>
      %dma_start3A_455 = arith.constant 0 : i32
      %dma_start3A_456 = arith.constant 0 : i32
      %dma_start3A_457 = tpu.memref_slice %arg2[%dma_start3A_455, %dma_start3A_456] : memref<2600000x16xf32, #tpu.memory_space<hbm>> -> memref<2600000x16xf32, #tpu.memory_space<hbm>>
      tpu.enqueue_indirect_dma source(%dma_start3A_457 : memref<2600000x16xf32, #tpu.memory_space<hbm>>) target(%dma_start3A_451 : memref<128x16xf32, #tpu.memory_space<vmem>>) offsets(%dma_start3A_454 : memref<128xi32, #tpu.memory_space<vmem>>) semaphore(%arg7 : memref<!tpu.dma_semaphore, #tpu.memory_space<semaphore_mem>>)
      %dma_start3A_458 = arith.constant 2 : i32
      %dma_start3A_459 = arith.constant 256 : i32
      %dma_start3A_460 = arith.constant 0 : i32
      %dma_start3A_461 = tpu.memref_slice %arg6[%dma_start3A_459, %dma_start3A_460] : memref<512x16xf32, #tpu.memory_space<vmem>> -> memref<128x16xf32, #tpu.memory_space<vmem>>
      %dma_start3A_462 = arith.constant 0 : i32
      %dma_start3A_463 = tpu.memref_slice %arg5[%dma_start3A_458, %dma_start3A_462] : memref<4x128xi32, #tpu.memory_space<vmem>> -> memref<1x128xi32, #tpu.memory_space<vmem>>
      %dma_start3A_464 = tpu.memref_squeeze %dma_start3A_463 : memref<1x128xi32, #tpu.memory_space<vmem>> -> memref<128xi32, #tpu.memory_space<vmem>>
      %dma_start3A_465 = arith.constant 0 : i32
      %dma_start3A_466 = arith.constant 0 : i32
      %dma_start3A_467 = tpu.memref_slice %arg2[%dma_start3A_465, %dma_start3A_466] : memref<2600000x16xf32, #tpu.memory_space<hbm>> -> memref<2600000x16xf32, #tpu.memory_space<hbm>>
      tpu.enqueue_indirect_dma source(%dma_start3A_467 : memref<2600000x16xf32, #tpu.memory_space<hbm>>) target(%dma_start3A_461 : memref<128x16xf32, #tpu.memory_space<vmem>>) offsets(%dma_start3A_464 : memref<128xi32, #tpu.memory_space<vmem>>) semaphore(%arg7 : memref<!tpu.dma_semaphore, #tpu.memory_space<semaphore_mem>>)
      %dma_start3A_468 = arith.constant 3 : i32
      %dma_start3A_469 = arith.constant 384 : i32
      %dma_start3A_470 = arith.constant 0 : i32
      %dma_start3A_471 = tpu.memref_slice %arg6[%dma_start3A_469, %dma_start3A_470] : memref<512x16xf32, #tpu.memory_space<vmem>> -> memref<128x16xf32, #tpu.memory_space<vmem>>
      %dma_start3A_472 = arith.constant 0 : i32
      %dma_start3A_473 = tpu.memref_slice %arg5[%dma_start3A_468, %dma_start3A_472] : memref<4x128xi32, #tpu.memory_space<vmem>> -> memref<1x128xi32, #tpu.memory_space<vmem>>
      %dma_start3A_474 = tpu.memref_squeeze %dma_start3A_473 : memref<1x128xi32, #tpu.memory_space<vmem>> -> memref<128xi32, #tpu.memory_space<vmem>>
      %dma_start3A_475 = arith.constant 0 : i32
      %dma_start3A_476 = arith.constant 0 : i32
      %dma_start3A_477 = tpu.memref_slice %arg2[%dma_start3A_475, %dma_start3A_476] : memref<2600000x16xf32, #tpu.memory_space<hbm>> -> memref<2600000x16xf32, #tpu.memory_space<hbm>>
      tpu.enqueue_indirect_dma source(%dma_start3A_477 : memref<2600000x16xf32, #tpu.memory_space<hbm>>) target(%dma_start3A_471 : memref<128x16xf32, #tpu.memory_space<vmem>>) offsets(%dma_start3A_474 : memref<128xi32, #tpu.memory_space<vmem>>) semaphore(%arg7 : memref<!tpu.dma_semaphore, #tpu.memory_space<semaphore_mem>>)
      %dma_wait3A = arith.constant 0 : i32
      %dma_wait3A_478 = arith.constant 0 : i32
      %dma_wait3A_479 = arith.constant 0 : i32
      %dma_wait3A_480 = tpu.memref_slice %arg6[%dma_wait3A_478, %dma_wait3A_479] : memref<512x16xf32, #tpu.memory_space<vmem>> -> memref<128x16xf32, #tpu.memory_space<vmem>>
      %dma_wait3A_481 = arith.constant 0 : i32
      %dma_wait3A_482 = tpu.memref_slice %arg5[%dma_wait3A, %dma_wait3A_481] : memref<4x128xi32, #tpu.memory_space<vmem>> -> memref<1x128xi32, #tpu.memory_space<vmem>>
      %dma_wait3A_483 = tpu.memref_squeeze %dma_wait3A_482 : memref<1x128xi32, #tpu.memory_space<vmem>> -> memref<128xi32, #tpu.memory_space<vmem>>
      %dma_wait3A_484 = arith.constant 0 : i32
      %dma_wait3A_485 = arith.constant 0 : i32
      %dma_wait3A_486 = tpu.memref_slice %arg2[%dma_wait3A_484, %dma_wait3A_485] : memref<2600000x16xf32, #tpu.memory_space<hbm>> -> memref<2600000x16xf32, #tpu.memory_space<hbm>>
      tpu.wait_indirect_dma semaphore(%arg7 : memref<!tpu.dma_semaphore, #tpu.memory_space<semaphore_mem>>) src(%dma_wait3A_486 : memref<2600000x16xf32, #tpu.memory_space<hbm>>) dst(%dma_wait3A_480 : memref<128x16xf32, #tpu.memory_space<vmem>>)
      %dma_wait3A_487 = arith.constant 1 : i32
      %dma_wait3A_488 = arith.constant 128 : i32
      %dma_wait3A_489 = arith.constant 0 : i32
      %dma_wait3A_490 = tpu.memref_slice %arg6[%dma_wait3A_488, %dma_wait3A_489] : memref<512x16xf32, #tpu.memory_space<vmem>> -> memref<128x16xf32, #tpu.memory_space<vmem>>
      %dma_wait3A_491 = arith.constant 0 : i32
      %dma_wait3A_492 = tpu.memref_slice %arg5[%dma_wait3A_487, %dma_wait3A_491] : memref<4x128xi32, #tpu.memory_space<vmem>> -> memref<1x128xi32, #tpu.memory_space<vmem>>
      %dma_wait3A_493 = tpu.memref_squeeze %dma_wait3A_492 : memref<1x128xi32, #tpu.memory_space<vmem>> -> memref<128xi32, #tpu.memory_space<vmem>>
      %dma_wait3A_494 = arith.constant 0 : i32
      %dma_wait3A_495 = arith.constant 0 : i32
      %dma_wait3A_496 = tpu.memref_slice %arg2[%dma_wait3A_494, %dma_wait3A_495] : memref<2600000x16xf32, #tpu.memory_space<hbm>> -> memref<2600000x16xf32, #tpu.memory_space<hbm>>
      tpu.wait_indirect_dma semaphore(%arg7 : memref<!tpu.dma_semaphore, #tpu.memory_space<semaphore_mem>>) src(%dma_wait3A_496 : memref<2600000x16xf32, #tpu.memory_space<hbm>>) dst(%dma_wait3A_490 : memref<128x16xf32, #tpu.memory_space<vmem>>)
      %dma_wait3A_497 = arith.constant 2 : i32
      %dma_wait3A_498 = arith.constant 256 : i32
      %dma_wait3A_499 = arith.constant 0 : i32
      %dma_wait3A_500 = tpu.memref_slice %arg6[%dma_wait3A_498, %dma_wait3A_499] : memref<512x16xf32, #tpu.memory_space<vmem>> -> memref<128x16xf32, #tpu.memory_space<vmem>>
      %dma_wait3A_501 = arith.constant 0 : i32
      %dma_wait3A_502 = tpu.memref_slice %arg5[%dma_wait3A_497, %dma_wait3A_501] : memref<4x128xi32, #tpu.memory_space<vmem>> -> memref<1x128xi32, #tpu.memory_space<vmem>>
      %dma_wait3A_503 = tpu.memref_squeeze %dma_wait3A_502 : memref<1x128xi32, #tpu.memory_space<vmem>> -> memref<128xi32, #tpu.memory_space<vmem>>
      %dma_wait3A_504 = arith.constant 0 : i32
      %dma_wait3A_505 = arith.constant 0 : i32
      %dma_wait3A_506 = tpu.memref_slice %arg2[%dma_wait3A_504, %dma_wait3A_505] : memref<2600000x16xf32, #tpu.memory_space<hbm>> -> memref<2600000x16xf32, #tpu.memory_space<hbm>>
      tpu.wait_indirect_dma semaphore(%arg7 : memref<!tpu.dma_semaphore, #tpu.memory_space<semaphore_mem>>) src(%dma_wait3A_506 : memref<2600000x16xf32, #tpu.memory_space<hbm>>) dst(%dma_wait3A_500 : memref<128x16xf32, #tpu.memory_space<vmem>>)
      %dma_wait3A_507 = arith.constant 3 : i32
      %dma_wait3A_508 = arith.constant 384 : i32
      %dma_wait3A_509 = arith.constant 0 : i32
      %dma_wait3A_510 = tpu.memref_slice %arg6[%dma_wait3A_508, %dma_wait3A_509] : memref<512x16xf32, #tpu.memory_space<vmem>> -> memref<128x16xf32, #tpu.memory_space<vmem>>
      %dma_wait3A_511 = arith.constant 0 : i32
      %dma_wait3A_512 = tpu.memref_slice %arg5[%dma_wait3A_507, %dma_wait3A_511] : memref<4x128xi32, #tpu.memory_space<vmem>> -> memref<1x128xi32, #tpu.memory_space<vmem>>
      %dma_wait3A_513 = tpu.memref_squeeze %dma_wait3A_512 : memref<1x128xi32, #tpu.memory_space<vmem>> -> memref<128xi32, #tpu.memory_space<vmem>>
      %dma_wait3A_514 = arith.constant 0 : i32
      %dma_wait3A_515 = arith.constant 0 : i32
      %dma_wait3A_516 = tpu.memref_slice %arg2[%dma_wait3A_514, %dma_wait3A_515] : memref<2600000x16xf32, #tpu.memory_space<hbm>> -> memref<2600000x16xf32, #tpu.memory_space<hbm>>
      tpu.wait_indirect_dma semaphore(%arg7 : memref<!tpu.dma_semaphore, #tpu.memory_space<semaphore_mem>>) src(%dma_wait3A_516 : memref<2600000x16xf32, #tpu.memory_space<hbm>>) dst(%dma_wait3A_510 : memref<128x16xf32, #tpu.memory_space<vmem>>)
      "tpu.region"() ({
        %run_scoped3A_517 = tpu.sem_alloc : memref<!tpu.dma_semaphore, #tpu.memory_space<semaphore_mem>>
        %dma_start3A_518 = arith.constant 0 : i32
        %dma_start3A_519 = tpu.memref_slice %arg4[%add3A_11, %dma_start3A_518] : memref<425984x16xf32, #tpu.memory_space<hbm>> -> memref<512x16xf32, #tpu.memory_space<hbm>>
        %dma_start3A_520 = arith.constant 0 : i32
        %dma_start3A_521 = tpu.memref_slice %arg4[%add3A_11, %dma_start3A_520] : memref<425984x16xf32, #tpu.memory_space<hbm>> -> memref<512x16xf32, #tpu.memory_space<hbm>>
        tpu.enqueue_dma source(%arg6 : memref<512x16xf32, #tpu.memory_space<vmem>>) target(%dma_start3A_521 : memref<512x16xf32, #tpu.memory_space<hbm>>) target_semaphore(%run_scoped3A_517 : memref<!tpu.dma_semaphore, #tpu.memory_space<semaphore_mem>>)
        %dma_wait3A_522 = arith.constant 0 : i32
        %dma_wait3A_523 = tpu.memref_slice %arg4[%add3A_11, %dma_wait3A_522] : memref<425984x16xf32, #tpu.memory_space<hbm>> -> memref<512x16xf32, #tpu.memory_space<hbm>>
        %dma_wait3A_524 = arith.constant 0 : i32
        %dma_wait3A_525 = tpu.memref_slice %arg4[%add3A_11, %dma_wait3A_524] : memref<425984x16xf32, #tpu.memory_space<hbm>> -> memref<512x16xf32, #tpu.memory_space<hbm>>
        tpu.wait_dma2 semaphore(%run_scoped3A_517 : memref<!tpu.dma_semaphore, #tpu.memory_space<semaphore_mem>>) src(%arg6 : memref<512x16xf32, #tpu.memory_space<vmem>>) dst(%dma_wait3A_525 : memref<512x16xf32, #tpu.memory_space<hbm>>)
        tpu.yield
      }) : () -> ()
    }
    %scan3A_7 = arith.constant 26 : i32
    return
  }
}

module attributes {stable_mosaic.version = 14 : i64} {
  func.func @_mlp_body(%arg0: i32, %arg1: memref<26x512x128xf32, #tpu.memory_space<vmem>>, %arg2: memref<512x104xf32, #tpu.memory_space<vmem>>, %arg3: memref<26x128x128xf32, #tpu.memory_space<vmem>>, %arg4: memref<104x128xf32, #tpu.memory_space<vmem>>, %arg5: memref<1x128xf32, #tpu.memory_space<vmem>>, %arg6: memref<128x128xf32, #tpu.memory_space<vmem>>, %arg7: memref<1x128xf32, #tpu.memory_space<vmem>>, %arg8: memref<128x128xf32, #tpu.memory_space<vmem>>, %arg9: memref<1x128xf32, #tpu.memory_space<vmem>>, %arg10: memref<128x128xf32, #tpu.memory_space<vmem>>, %arg11: memref<1x128xf32, #tpu.memory_space<vmem>>, %arg12: memref<1x104xf32, #tpu.memory_space<vmem>>, %arg13: memref<1x104xf32, #tpu.memory_space<vmem>>, %arg14: memref<1x104xf32, #tpu.memory_space<vmem>>, %arg15: memref<1x104xf32, #tpu.memory_space<vmem>>, %arg16: memref<512x128xf32, #tpu.memory_space<vmem>>) attributes {dimension_semantics = [#tpu.dimension_semantics<arbitrary>], iteration_bounds = array<i64: 4>, scalar_prefetch = 0 : i64, scratch_operands = 0 : i64, tpu.core_type = #tpu.core_type<tc>, window_params = [{transform_indices = @transform_0, window_bounds = array<i64: 26, 512, 128>}, {transform_indices = @transform_1, window_bounds = array<i64: 512, 104>}, {pipeline_mode = #tpu.pipeline_mode<synchronous>, transform_indices = @transform_2, window_bounds = array<i64: 26, 128, 128>}, {pipeline_mode = #tpu.pipeline_mode<synchronous>, transform_indices = @transform_3, window_bounds = array<i64: 104, 128>}, {pipeline_mode = #tpu.pipeline_mode<synchronous>, transform_indices = @transform_4, window_bounds = array<i64: 1, 128>}, {pipeline_mode = #tpu.pipeline_mode<synchronous>, transform_indices = @transform_5, window_bounds = array<i64: 128, 128>}, {pipeline_mode = #tpu.pipeline_mode<synchronous>, transform_indices = @transform_6, window_bounds = array<i64: 1, 128>}, {pipeline_mode = #tpu.pipeline_mode<synchronous>, transform_indices = @transform_7, window_bounds = array<i64: 128, 128>}, {pipeline_mode = #tpu.pipeline_mode<synchronous>, transform_indices = @transform_8, window_bounds = array<i64: 1, 128>}, {pipeline_mode = #tpu.pipeline_mode<synchronous>, transform_indices = @transform_9, window_bounds = array<i64: 128, 128>}, {pipeline_mode = #tpu.pipeline_mode<synchronous>, transform_indices = @transform_10, window_bounds = array<i64: 1, 128>}, {pipeline_mode = #tpu.pipeline_mode<synchronous>, transform_indices = @transform_11, window_bounds = array<i64: 1, 104>}, {pipeline_mode = #tpu.pipeline_mode<synchronous>, transform_indices = @transform_12, window_bounds = array<i64: 1, 104>}, {pipeline_mode = #tpu.pipeline_mode<synchronous>, transform_indices = @transform_13, window_bounds = array<i64: 1, 104>}, {pipeline_mode = #tpu.pipeline_mode<synchronous>, transform_indices = @transform_14, window_bounds = array<i64: 1, 104>}, {transform_indices = @transform_15, window_bounds = array<i64: 512, 128>}]} {
    %get3A = arith.constant 0 : index
    %get3A_0 = arith.constant 0 : index
    %get3A_1 = vector.load %arg2[%get3A, %get3A_0] : memref<512x104xf32, #tpu.memory_space<vmem>>, vector<512x104xf32>
    %get3A_2 = arith.constant 0 : index
    %get3A_3 = arith.constant 0 : index
    %get3A_4 = vector.load %arg14[%get3A_2, %get3A_3] : memref<1x104xf32, #tpu.memory_space<vmem>>, vector<1x104xf32>
    %sub3A = vector.broadcast %get3A_4 : vector<1x104xf32> to vector<512x104xf32>
    %sub3A_5 = arith.subf %get3A_1, %sub3A : vector<512x104xf32>
    %get3A_6 = arith.constant 0 : index
    %get3A_7 = arith.constant 0 : index
    %get3A_8 = vector.load %arg12[%get3A_6, %get3A_7] : memref<1x104xf32, #tpu.memory_space<vmem>>, vector<1x104xf32>
    %get3A_9 = arith.constant 0 : index
    %get3A_10 = arith.constant 0 : index
    %get3A_11 = vector.load %arg15[%get3A_9, %get3A_10] : memref<1x104xf32, #tpu.memory_space<vmem>>, vector<1x104xf32>
    %add3A = arith.constant 9.99999974E-6 : f32
    %add3A_12 = vector.broadcast %add3A : f32 to vector<1x104xf32>
    %add3A_13 = arith.addf %get3A_11, %add3A_12 : vector<1x104xf32>
    %rsqrt3A = math.rsqrt %add3A_13 : vector<1x104xf32>
    %mul3A = arith.mulf %get3A_8, %rsqrt3A : vector<1x104xf32>
    %mul3A_14 = vector.broadcast %mul3A : vector<1x104xf32> to vector<512x104xf32>
    %mul3A_15 = arith.mulf %sub3A_5, %mul3A_14 : vector<512x104xf32>
    %get3A_16 = arith.constant 0 : index
    %get3A_17 = arith.constant 0 : index
    %get3A_18 = vector.load %arg13[%get3A_16, %get3A_17] : memref<1x104xf32, #tpu.memory_space<vmem>>, vector<1x104xf32>
    %add3A_19 = vector.broadcast %get3A_18 : vector<1x104xf32> to vector<512x104xf32>
    %add3A_20 = arith.addf %mul3A_15, %add3A_19 : vector<512x104xf32>
    %get3A_21 = arith.constant 0 : index
    %get3A_22 = arith.constant 0 : index
    %get3A_23 = vector.load %arg4[%get3A_21, %get3A_22] : memref<104x128xf32, #tpu.memory_space<vmem>>, vector<104x128xf32>
    %dot_general3A = arith.constant dense<0.000000e+00> : vector<512x128xf32>
    %dot_general3A_24 = tpu.matmul %add3A_20, %get3A_23, %dot_general3A {dimension_numbers = #tpu.dot_dimension_numbers<[1], [0], [0], [1], [0, 0, 1, 1], [], []>, precision = #tpu.contract_precision<fp32>, transpose_lhs_hint = false} : vector<512x104xf32>, vector<104x128xf32>, vector<512x128xf32> -> vector<512x128xf32>
    %get3A_25 = arith.constant 0 : index
    %get3A_26 = arith.constant 0 : index
    %get3A_27 = arith.constant 0 : index
    %get3A_28 = vector.load %arg1[%get3A_25, %get3A_26, %get3A_27] : memref<26x512x128xf32, #tpu.memory_space<vmem>>, vector<1x512x128xf32>
    %get3A_29 = vector.shape_cast %get3A_28 : vector<1x512x128xf32> to vector<512x128xf32>
    %get3A_30 = arith.constant 0 : index
    %get3A_31 = arith.constant 0 : index
    %get3A_32 = arith.constant 0 : index
    %get3A_33 = vector.load %arg3[%get3A_30, %get3A_31, %get3A_32] : memref<26x128x128xf32, #tpu.memory_space<vmem>>, vector<1x128x128xf32>
    %get3A_34 = vector.shape_cast %get3A_33 : vector<1x128x128xf32> to vector<128x128xf32>
    %dot_general3A_35 = arith.constant dense<0.000000e+00> : vector<512x128xf32>
    %dot_general3A_36 = tpu.matmul %get3A_29, %get3A_34, %dot_general3A_35 {dimension_numbers = #tpu.dot_dimension_numbers<[1], [0], [0], [1], [0, 0, 1, 1], [], []>, precision = #tpu.contract_precision<fp32>, transpose_lhs_hint = false} : vector<512x128xf32>, vector<128x128xf32>, vector<512x128xf32> -> vector<512x128xf32>
    %add3A_37 = arith.addf %dot_general3A_24, %dot_general3A_36 : vector<512x128xf32>
    %get3A_38 = arith.constant 1 : index
    %get3A_39 = arith.constant 0 : index
    %get3A_40 = arith.constant 0 : index
    %get3A_41 = vector.load %arg1[%get3A_38, %get3A_39, %get3A_40] : memref<26x512x128xf32, #tpu.memory_space<vmem>>, vector<1x512x128xf32>
    %get3A_42 = vector.shape_cast %get3A_41 : vector<1x512x128xf32> to vector<512x128xf32>
    %get3A_43 = arith.constant 1 : index
    %get3A_44 = arith.constant 0 : index
    %get3A_45 = arith.constant 0 : index
    %get3A_46 = vector.load %arg3[%get3A_43, %get3A_44, %get3A_45] : memref<26x128x128xf32, #tpu.memory_space<vmem>>, vector<1x128x128xf32>
    %get3A_47 = vector.shape_cast %get3A_46 : vector<1x128x128xf32> to vector<128x128xf32>
    %dot_general3A_48 = arith.constant dense<0.000000e+00> : vector<512x128xf32>
    %dot_general3A_49 = tpu.matmul %get3A_42, %get3A_47, %dot_general3A_48 {dimension_numbers = #tpu.dot_dimension_numbers<[1], [0], [0], [1], [0, 0, 1, 1], [], []>, precision = #tpu.contract_precision<fp32>, transpose_lhs_hint = false} : vector<512x128xf32>, vector<128x128xf32>, vector<512x128xf32> -> vector<512x128xf32>
    %add3A_50 = arith.addf %add3A_37, %dot_general3A_49 : vector<512x128xf32>
    %get3A_51 = arith.constant 2 : index
    %get3A_52 = arith.constant 0 : index
    %get3A_53 = arith.constant 0 : index
    %get3A_54 = vector.load %arg1[%get3A_51, %get3A_52, %get3A_53] : memref<26x512x128xf32, #tpu.memory_space<vmem>>, vector<1x512x128xf32>
    %get3A_55 = vector.shape_cast %get3A_54 : vector<1x512x128xf32> to vector<512x128xf32>
    %get3A_56 = arith.constant 2 : index
    %get3A_57 = arith.constant 0 : index
    %get3A_58 = arith.constant 0 : index
    %get3A_59 = vector.load %arg3[%get3A_56, %get3A_57, %get3A_58] : memref<26x128x128xf32, #tpu.memory_space<vmem>>, vector<1x128x128xf32>
    %get3A_60 = vector.shape_cast %get3A_59 : vector<1x128x128xf32> to vector<128x128xf32>
    %dot_general3A_61 = arith.constant dense<0.000000e+00> : vector<512x128xf32>
    %dot_general3A_62 = tpu.matmul %get3A_55, %get3A_60, %dot_general3A_61 {dimension_numbers = #tpu.dot_dimension_numbers<[1], [0], [0], [1], [0, 0, 1, 1], [], []>, precision = #tpu.contract_precision<fp32>, transpose_lhs_hint = false} : vector<512x128xf32>, vector<128x128xf32>, vector<512x128xf32> -> vector<512x128xf32>
    %add3A_63 = arith.addf %add3A_50, %dot_general3A_62 : vector<512x128xf32>
    %get3A_64 = arith.constant 3 : index
    %get3A_65 = arith.constant 0 : index
    %get3A_66 = arith.constant 0 : index
    %get3A_67 = vector.load %arg1[%get3A_64, %get3A_65, %get3A_66] : memref<26x512x128xf32, #tpu.memory_space<vmem>>, vector<1x512x128xf32>
    %get3A_68 = vector.shape_cast %get3A_67 : vector<1x512x128xf32> to vector<512x128xf32>
    %get3A_69 = arith.constant 3 : index
    %get3A_70 = arith.constant 0 : index
    %get3A_71 = arith.constant 0 : index
    %get3A_72 = vector.load %arg3[%get3A_69, %get3A_70, %get3A_71] : memref<26x128x128xf32, #tpu.memory_space<vmem>>, vector<1x128x128xf32>
    %get3A_73 = vector.shape_cast %get3A_72 : vector<1x128x128xf32> to vector<128x128xf32>
    %dot_general3A_74 = arith.constant dense<0.000000e+00> : vector<512x128xf32>
    %dot_general3A_75 = tpu.matmul %get3A_68, %get3A_73, %dot_general3A_74 {dimension_numbers = #tpu.dot_dimension_numbers<[1], [0], [0], [1], [0, 0, 1, 1], [], []>, precision = #tpu.contract_precision<fp32>, transpose_lhs_hint = false} : vector<512x128xf32>, vector<128x128xf32>, vector<512x128xf32> -> vector<512x128xf32>
    %add3A_76 = arith.addf %add3A_63, %dot_general3A_75 : vector<512x128xf32>
    %get3A_77 = arith.constant 4 : index
    %get3A_78 = arith.constant 0 : index
    %get3A_79 = arith.constant 0 : index
    %get3A_80 = vector.load %arg1[%get3A_77, %get3A_78, %get3A_79] : memref<26x512x128xf32, #tpu.memory_space<vmem>>, vector<1x512x128xf32>
    %get3A_81 = vector.shape_cast %get3A_80 : vector<1x512x128xf32> to vector<512x128xf32>
    %get3A_82 = arith.constant 4 : index
    %get3A_83 = arith.constant 0 : index
    %get3A_84 = arith.constant 0 : index
    %get3A_85 = vector.load %arg3[%get3A_82, %get3A_83, %get3A_84] : memref<26x128x128xf32, #tpu.memory_space<vmem>>, vector<1x128x128xf32>
    %get3A_86 = vector.shape_cast %get3A_85 : vector<1x128x128xf32> to vector<128x128xf32>
    %dot_general3A_87 = arith.constant dense<0.000000e+00> : vector<512x128xf32>
    %dot_general3A_88 = tpu.matmul %get3A_81, %get3A_86, %dot_general3A_87 {dimension_numbers = #tpu.dot_dimension_numbers<[1], [0], [0], [1], [0, 0, 1, 1], [], []>, precision = #tpu.contract_precision<fp32>, transpose_lhs_hint = false} : vector<512x128xf32>, vector<128x128xf32>, vector<512x128xf32> -> vector<512x128xf32>
    %add3A_89 = arith.addf %add3A_76, %dot_general3A_88 : vector<512x128xf32>
    %get3A_90 = arith.constant 5 : index
    %get3A_91 = arith.constant 0 : index
    %get3A_92 = arith.constant 0 : index
    %get3A_93 = vector.load %arg1[%get3A_90, %get3A_91, %get3A_92] : memref<26x512x128xf32, #tpu.memory_space<vmem>>, vector<1x512x128xf32>
    %get3A_94 = vector.shape_cast %get3A_93 : vector<1x512x128xf32> to vector<512x128xf32>
    %get3A_95 = arith.constant 5 : index
    %get3A_96 = arith.constant 0 : index
    %get3A_97 = arith.constant 0 : index
    %get3A_98 = vector.load %arg3[%get3A_95, %get3A_96, %get3A_97] : memref<26x128x128xf32, #tpu.memory_space<vmem>>, vector<1x128x128xf32>
    %get3A_99 = vector.shape_cast %get3A_98 : vector<1x128x128xf32> to vector<128x128xf32>
    %dot_general3A_100 = arith.constant dense<0.000000e+00> : vector<512x128xf32>
    %dot_general3A_101 = tpu.matmul %get3A_94, %get3A_99, %dot_general3A_100 {dimension_numbers = #tpu.dot_dimension_numbers<[1], [0], [0], [1], [0, 0, 1, 1], [], []>, precision = #tpu.contract_precision<fp32>, transpose_lhs_hint = false} : vector<512x128xf32>, vector<128x128xf32>, vector<512x128xf32> -> vector<512x128xf32>
    %add3A_102 = arith.addf %add3A_89, %dot_general3A_101 : vector<512x128xf32>
    %get3A_103 = arith.constant 6 : index
    %get3A_104 = arith.constant 0 : index
    %get3A_105 = arith.constant 0 : index
    %get3A_106 = vector.load %arg1[%get3A_103, %get3A_104, %get3A_105] : memref<26x512x128xf32, #tpu.memory_space<vmem>>, vector<1x512x128xf32>
    %get3A_107 = vector.shape_cast %get3A_106 : vector<1x512x128xf32> to vector<512x128xf32>
    %get3A_108 = arith.constant 6 : index
    %get3A_109 = arith.constant 0 : index
    %get3A_110 = arith.constant 0 : index
    %get3A_111 = vector.load %arg3[%get3A_108, %get3A_109, %get3A_110] : memref<26x128x128xf32, #tpu.memory_space<vmem>>, vector<1x128x128xf32>
    %get3A_112 = vector.shape_cast %get3A_111 : vector<1x128x128xf32> to vector<128x128xf32>
    %dot_general3A_113 = arith.constant dense<0.000000e+00> : vector<512x128xf32>
    %dot_general3A_114 = tpu.matmul %get3A_107, %get3A_112, %dot_general3A_113 {dimension_numbers = #tpu.dot_dimension_numbers<[1], [0], [0], [1], [0, 0, 1, 1], [], []>, precision = #tpu.contract_precision<fp32>, transpose_lhs_hint = false} : vector<512x128xf32>, vector<128x128xf32>, vector<512x128xf32> -> vector<512x128xf32>
    %add3A_115 = arith.addf %add3A_102, %dot_general3A_114 : vector<512x128xf32>
    %get3A_116 = arith.constant 7 : index
    %get3A_117 = arith.constant 0 : index
    %get3A_118 = arith.constant 0 : index
    %get3A_119 = vector.load %arg1[%get3A_116, %get3A_117, %get3A_118] : memref<26x512x128xf32, #tpu.memory_space<vmem>>, vector<1x512x128xf32>
    %get3A_120 = vector.shape_cast %get3A_119 : vector<1x512x128xf32> to vector<512x128xf32>
    %get3A_121 = arith.constant 7 : index
    %get3A_122 = arith.constant 0 : index
    %get3A_123 = arith.constant 0 : index
    %get3A_124 = vector.load %arg3[%get3A_121, %get3A_122, %get3A_123] : memref<26x128x128xf32, #tpu.memory_space<vmem>>, vector<1x128x128xf32>
    %get3A_125 = vector.shape_cast %get3A_124 : vector<1x128x128xf32> to vector<128x128xf32>
    %dot_general3A_126 = arith.constant dense<0.000000e+00> : vector<512x128xf32>
    %dot_general3A_127 = tpu.matmul %get3A_120, %get3A_125, %dot_general3A_126 {dimension_numbers = #tpu.dot_dimension_numbers<[1], [0], [0], [1], [0, 0, 1, 1], [], []>, precision = #tpu.contract_precision<fp32>, transpose_lhs_hint = false} : vector<512x128xf32>, vector<128x128xf32>, vector<512x128xf32> -> vector<512x128xf32>
    %add3A_128 = arith.addf %add3A_115, %dot_general3A_127 : vector<512x128xf32>
    %get3A_129 = arith.constant 8 : index
    %get3A_130 = arith.constant 0 : index
    %get3A_131 = arith.constant 0 : index
    %get3A_132 = vector.load %arg1[%get3A_129, %get3A_130, %get3A_131] : memref<26x512x128xf32, #tpu.memory_space<vmem>>, vector<1x512x128xf32>
    %get3A_133 = vector.shape_cast %get3A_132 : vector<1x512x128xf32> to vector<512x128xf32>
    %get3A_134 = arith.constant 8 : index
    %get3A_135 = arith.constant 0 : index
    %get3A_136 = arith.constant 0 : index
    %get3A_137 = vector.load %arg3[%get3A_134, %get3A_135, %get3A_136] : memref<26x128x128xf32, #tpu.memory_space<vmem>>, vector<1x128x128xf32>
    %get3A_138 = vector.shape_cast %get3A_137 : vector<1x128x128xf32> to vector<128x128xf32>
    %dot_general3A_139 = arith.constant dense<0.000000e+00> : vector<512x128xf32>
    %dot_general3A_140 = tpu.matmul %get3A_133, %get3A_138, %dot_general3A_139 {dimension_numbers = #tpu.dot_dimension_numbers<[1], [0], [0], [1], [0, 0, 1, 1], [], []>, precision = #tpu.contract_precision<fp32>, transpose_lhs_hint = false} : vector<512x128xf32>, vector<128x128xf32>, vector<512x128xf32> -> vector<512x128xf32>
    %add3A_141 = arith.addf %add3A_128, %dot_general3A_140 : vector<512x128xf32>
    %get3A_142 = arith.constant 9 : index
    %get3A_143 = arith.constant 0 : index
    %get3A_144 = arith.constant 0 : index
    %get3A_145 = vector.load %arg1[%get3A_142, %get3A_143, %get3A_144] : memref<26x512x128xf32, #tpu.memory_space<vmem>>, vector<1x512x128xf32>
    %get3A_146 = vector.shape_cast %get3A_145 : vector<1x512x128xf32> to vector<512x128xf32>
    %get3A_147 = arith.constant 9 : index
    %get3A_148 = arith.constant 0 : index
    %get3A_149 = arith.constant 0 : index
    %get3A_150 = vector.load %arg3[%get3A_147, %get3A_148, %get3A_149] : memref<26x128x128xf32, #tpu.memory_space<vmem>>, vector<1x128x128xf32>
    %get3A_151 = vector.shape_cast %get3A_150 : vector<1x128x128xf32> to vector<128x128xf32>
    %dot_general3A_152 = arith.constant dense<0.000000e+00> : vector<512x128xf32>
    %dot_general3A_153 = tpu.matmul %get3A_146, %get3A_151, %dot_general3A_152 {dimension_numbers = #tpu.dot_dimension_numbers<[1], [0], [0], [1], [0, 0, 1, 1], [], []>, precision = #tpu.contract_precision<fp32>, transpose_lhs_hint = false} : vector<512x128xf32>, vector<128x128xf32>, vector<512x128xf32> -> vector<512x128xf32>
    %add3A_154 = arith.addf %add3A_141, %dot_general3A_153 : vector<512x128xf32>
    %get3A_155 = arith.constant 10 : index
    %get3A_156 = arith.constant 0 : index
    %get3A_157 = arith.constant 0 : index
    %get3A_158 = vector.load %arg1[%get3A_155, %get3A_156, %get3A_157] : memref<26x512x128xf32, #tpu.memory_space<vmem>>, vector<1x512x128xf32>
    %get3A_159 = vector.shape_cast %get3A_158 : vector<1x512x128xf32> to vector<512x128xf32>
    %get3A_160 = arith.constant 10 : index
    %get3A_161 = arith.constant 0 : index
    %get3A_162 = arith.constant 0 : index
    %get3A_163 = vector.load %arg3[%get3A_160, %get3A_161, %get3A_162] : memref<26x128x128xf32, #tpu.memory_space<vmem>>, vector<1x128x128xf32>
    %get3A_164 = vector.shape_cast %get3A_163 : vector<1x128x128xf32> to vector<128x128xf32>
    %dot_general3A_165 = arith.constant dense<0.000000e+00> : vector<512x128xf32>
    %dot_general3A_166 = tpu.matmul %get3A_159, %get3A_164, %dot_general3A_165 {dimension_numbers = #tpu.dot_dimension_numbers<[1], [0], [0], [1], [0, 0, 1, 1], [], []>, precision = #tpu.contract_precision<fp32>, transpose_lhs_hint = false} : vector<512x128xf32>, vector<128x128xf32>, vector<512x128xf32> -> vector<512x128xf32>
    %add3A_167 = arith.addf %add3A_154, %dot_general3A_166 : vector<512x128xf32>
    %get3A_168 = arith.constant 11 : index
    %get3A_169 = arith.constant 0 : index
    %get3A_170 = arith.constant 0 : index
    %get3A_171 = vector.load %arg1[%get3A_168, %get3A_169, %get3A_170] : memref<26x512x128xf32, #tpu.memory_space<vmem>>, vector<1x512x128xf32>
    %get3A_172 = vector.shape_cast %get3A_171 : vector<1x512x128xf32> to vector<512x128xf32>
    %get3A_173 = arith.constant 11 : index
    %get3A_174 = arith.constant 0 : index
    %get3A_175 = arith.constant 0 : index
    %get3A_176 = vector.load %arg3[%get3A_173, %get3A_174, %get3A_175] : memref<26x128x128xf32, #tpu.memory_space<vmem>>, vector<1x128x128xf32>
    %get3A_177 = vector.shape_cast %get3A_176 : vector<1x128x128xf32> to vector<128x128xf32>
    %dot_general3A_178 = arith.constant dense<0.000000e+00> : vector<512x128xf32>
    %dot_general3A_179 = tpu.matmul %get3A_172, %get3A_177, %dot_general3A_178 {dimension_numbers = #tpu.dot_dimension_numbers<[1], [0], [0], [1], [0, 0, 1, 1], [], []>, precision = #tpu.contract_precision<fp32>, transpose_lhs_hint = false} : vector<512x128xf32>, vector<128x128xf32>, vector<512x128xf32> -> vector<512x128xf32>
    %add3A_180 = arith.addf %add3A_167, %dot_general3A_179 : vector<512x128xf32>
    %get3A_181 = arith.constant 12 : index
    %get3A_182 = arith.constant 0 : index
    %get3A_183 = arith.constant 0 : index
    %get3A_184 = vector.load %arg1[%get3A_181, %get3A_182, %get3A_183] : memref<26x512x128xf32, #tpu.memory_space<vmem>>, vector<1x512x128xf32>
    %get3A_185 = vector.shape_cast %get3A_184 : vector<1x512x128xf32> to vector<512x128xf32>
    %get3A_186 = arith.constant 12 : index
    %get3A_187 = arith.constant 0 : index
    %get3A_188 = arith.constant 0 : index
    %get3A_189 = vector.load %arg3[%get3A_186, %get3A_187, %get3A_188] : memref<26x128x128xf32, #tpu.memory_space<vmem>>, vector<1x128x128xf32>
    %get3A_190 = vector.shape_cast %get3A_189 : vector<1x128x128xf32> to vector<128x128xf32>
    %dot_general3A_191 = arith.constant dense<0.000000e+00> : vector<512x128xf32>
    %dot_general3A_192 = tpu.matmul %get3A_185, %get3A_190, %dot_general3A_191 {dimension_numbers = #tpu.dot_dimension_numbers<[1], [0], [0], [1], [0, 0, 1, 1], [], []>, precision = #tpu.contract_precision<fp32>, transpose_lhs_hint = false} : vector<512x128xf32>, vector<128x128xf32>, vector<512x128xf32> -> vector<512x128xf32>
    %add3A_193 = arith.addf %add3A_180, %dot_general3A_192 : vector<512x128xf32>
    %get3A_194 = arith.constant 13 : index
    %get3A_195 = arith.constant 0 : index
    %get3A_196 = arith.constant 0 : index
    %get3A_197 = vector.load %arg1[%get3A_194, %get3A_195, %get3A_196] : memref<26x512x128xf32, #tpu.memory_space<vmem>>, vector<1x512x128xf32>
    %get3A_198 = vector.shape_cast %get3A_197 : vector<1x512x128xf32> to vector<512x128xf32>
    %get3A_199 = arith.constant 13 : index
    %get3A_200 = arith.constant 0 : index
    %get3A_201 = arith.constant 0 : index
    %get3A_202 = vector.load %arg3[%get3A_199, %get3A_200, %get3A_201] : memref<26x128x128xf32, #tpu.memory_space<vmem>>, vector<1x128x128xf32>
    %get3A_203 = vector.shape_cast %get3A_202 : vector<1x128x128xf32> to vector<128x128xf32>
    %dot_general3A_204 = arith.constant dense<0.000000e+00> : vector<512x128xf32>
    %dot_general3A_205 = tpu.matmul %get3A_198, %get3A_203, %dot_general3A_204 {dimension_numbers = #tpu.dot_dimension_numbers<[1], [0], [0], [1], [0, 0, 1, 1], [], []>, precision = #tpu.contract_precision<fp32>, transpose_lhs_hint = false} : vector<512x128xf32>, vector<128x128xf32>, vector<512x128xf32> -> vector<512x128xf32>
    %add3A_206 = arith.addf %add3A_193, %dot_general3A_205 : vector<512x128xf32>
    %get3A_207 = arith.constant 14 : index
    %get3A_208 = arith.constant 0 : index
    %get3A_209 = arith.constant 0 : index
    %get3A_210 = vector.load %arg1[%get3A_207, %get3A_208, %get3A_209] : memref<26x512x128xf32, #tpu.memory_space<vmem>>, vector<1x512x128xf32>
    %get3A_211 = vector.shape_cast %get3A_210 : vector<1x512x128xf32> to vector<512x128xf32>
    %get3A_212 = arith.constant 14 : index
    %get3A_213 = arith.constant 0 : index
    %get3A_214 = arith.constant 0 : index
    %get3A_215 = vector.load %arg3[%get3A_212, %get3A_213, %get3A_214] : memref<26x128x128xf32, #tpu.memory_space<vmem>>, vector<1x128x128xf32>
    %get3A_216 = vector.shape_cast %get3A_215 : vector<1x128x128xf32> to vector<128x128xf32>
    %dot_general3A_217 = arith.constant dense<0.000000e+00> : vector<512x128xf32>
    %dot_general3A_218 = tpu.matmul %get3A_211, %get3A_216, %dot_general3A_217 {dimension_numbers = #tpu.dot_dimension_numbers<[1], [0], [0], [1], [0, 0, 1, 1], [], []>, precision = #tpu.contract_precision<fp32>, transpose_lhs_hint = false} : vector<512x128xf32>, vector<128x128xf32>, vector<512x128xf32> -> vector<512x128xf32>
    %add3A_219 = arith.addf %add3A_206, %dot_general3A_218 : vector<512x128xf32>
    %get3A_220 = arith.constant 15 : index
    %get3A_221 = arith.constant 0 : index
    %get3A_222 = arith.constant 0 : index
    %get3A_223 = vector.load %arg1[%get3A_220, %get3A_221, %get3A_222] : memref<26x512x128xf32, #tpu.memory_space<vmem>>, vector<1x512x128xf32>
    %get3A_224 = vector.shape_cast %get3A_223 : vector<1x512x128xf32> to vector<512x128xf32>
    %get3A_225 = arith.constant 15 : index
    %get3A_226 = arith.constant 0 : index
    %get3A_227 = arith.constant 0 : index
    %get3A_228 = vector.load %arg3[%get3A_225, %get3A_226, %get3A_227] : memref<26x128x128xf32, #tpu.memory_space<vmem>>, vector<1x128x128xf32>
    %get3A_229 = vector.shape_cast %get3A_228 : vector<1x128x128xf32> to vector<128x128xf32>
    %dot_general3A_230 = arith.constant dense<0.000000e+00> : vector<512x128xf32>
    %dot_general3A_231 = tpu.matmul %get3A_224, %get3A_229, %dot_general3A_230 {dimension_numbers = #tpu.dot_dimension_numbers<[1], [0], [0], [1], [0, 0, 1, 1], [], []>, precision = #tpu.contract_precision<fp32>, transpose_lhs_hint = false} : vector<512x128xf32>, vector<128x128xf32>, vector<512x128xf32> -> vector<512x128xf32>
    %add3A_232 = arith.addf %add3A_219, %dot_general3A_231 : vector<512x128xf32>
    %get3A_233 = arith.constant 16 : index
    %get3A_234 = arith.constant 0 : index
    %get3A_235 = arith.constant 0 : index
    %get3A_236 = vector.load %arg1[%get3A_233, %get3A_234, %get3A_235] : memref<26x512x128xf32, #tpu.memory_space<vmem>>, vector<1x512x128xf32>
    %get3A_237 = vector.shape_cast %get3A_236 : vector<1x512x128xf32> to vector<512x128xf32>
    %get3A_238 = arith.constant 16 : index
    %get3A_239 = arith.constant 0 : index
    %get3A_240 = arith.constant 0 : index
    %get3A_241 = vector.load %arg3[%get3A_238, %get3A_239, %get3A_240] : memref<26x128x128xf32, #tpu.memory_space<vmem>>, vector<1x128x128xf32>
    %get3A_242 = vector.shape_cast %get3A_241 : vector<1x128x128xf32> to vector<128x128xf32>
    %dot_general3A_243 = arith.constant dense<0.000000e+00> : vector<512x128xf32>
    %dot_general3A_244 = tpu.matmul %get3A_237, %get3A_242, %dot_general3A_243 {dimension_numbers = #tpu.dot_dimension_numbers<[1], [0], [0], [1], [0, 0, 1, 1], [], []>, precision = #tpu.contract_precision<fp32>, transpose_lhs_hint = false} : vector<512x128xf32>, vector<128x128xf32>, vector<512x128xf32> -> vector<512x128xf32>
    %add3A_245 = arith.addf %add3A_232, %dot_general3A_244 : vector<512x128xf32>
    %get3A_246 = arith.constant 17 : index
    %get3A_247 = arith.constant 0 : index
    %get3A_248 = arith.constant 0 : index
    %get3A_249 = vector.load %arg1[%get3A_246, %get3A_247, %get3A_248] : memref<26x512x128xf32, #tpu.memory_space<vmem>>, vector<1x512x128xf32>
    %get3A_250 = vector.shape_cast %get3A_249 : vector<1x512x128xf32> to vector<512x128xf32>
    %get3A_251 = arith.constant 17 : index
    %get3A_252 = arith.constant 0 : index
    %get3A_253 = arith.constant 0 : index
    %get3A_254 = vector.load %arg3[%get3A_251, %get3A_252, %get3A_253] : memref<26x128x128xf32, #tpu.memory_space<vmem>>, vector<1x128x128xf32>
    %get3A_255 = vector.shape_cast %get3A_254 : vector<1x128x128xf32> to vector<128x128xf32>
    %dot_general3A_256 = arith.constant dense<0.000000e+00> : vector<512x128xf32>
    %dot_general3A_257 = tpu.matmul %get3A_250, %get3A_255, %dot_general3A_256 {dimension_numbers = #tpu.dot_dimension_numbers<[1], [0], [0], [1], [0, 0, 1, 1], [], []>, precision = #tpu.contract_precision<fp32>, transpose_lhs_hint = false} : vector<512x128xf32>, vector<128x128xf32>, vector<512x128xf32> -> vector<512x128xf32>
    %add3A_258 = arith.addf %add3A_245, %dot_general3A_257 : vector<512x128xf32>
    %get3A_259 = arith.constant 18 : index
    %get3A_260 = arith.constant 0 : index
    %get3A_261 = arith.constant 0 : index
    %get3A_262 = vector.load %arg1[%get3A_259, %get3A_260, %get3A_261] : memref<26x512x128xf32, #tpu.memory_space<vmem>>, vector<1x512x128xf32>
    %get3A_263 = vector.shape_cast %get3A_262 : vector<1x512x128xf32> to vector<512x128xf32>
    %get3A_264 = arith.constant 18 : index
    %get3A_265 = arith.constant 0 : index
    %get3A_266 = arith.constant 0 : index
    %get3A_267 = vector.load %arg3[%get3A_264, %get3A_265, %get3A_266] : memref<26x128x128xf32, #tpu.memory_space<vmem>>, vector<1x128x128xf32>
    %get3A_268 = vector.shape_cast %get3A_267 : vector<1x128x128xf32> to vector<128x128xf32>
    %dot_general3A_269 = arith.constant dense<0.000000e+00> : vector<512x128xf32>
    %dot_general3A_270 = tpu.matmul %get3A_263, %get3A_268, %dot_general3A_269 {dimension_numbers = #tpu.dot_dimension_numbers<[1], [0], [0], [1], [0, 0, 1, 1], [], []>, precision = #tpu.contract_precision<fp32>, transpose_lhs_hint = false} : vector<512x128xf32>, vector<128x128xf32>, vector<512x128xf32> -> vector<512x128xf32>
    %add3A_271 = arith.addf %add3A_258, %dot_general3A_270 : vector<512x128xf32>
    %get3A_272 = arith.constant 19 : index
    %get3A_273 = arith.constant 0 : index
    %get3A_274 = arith.constant 0 : index
    %get3A_275 = vector.load %arg1[%get3A_272, %get3A_273, %get3A_274] : memref<26x512x128xf32, #tpu.memory_space<vmem>>, vector<1x512x128xf32>
    %get3A_276 = vector.shape_cast %get3A_275 : vector<1x512x128xf32> to vector<512x128xf32>
    %get3A_277 = arith.constant 19 : index
    %get3A_278 = arith.constant 0 : index
    %get3A_279 = arith.constant 0 : index
    %get3A_280 = vector.load %arg3[%get3A_277, %get3A_278, %get3A_279] : memref<26x128x128xf32, #tpu.memory_space<vmem>>, vector<1x128x128xf32>
    %get3A_281 = vector.shape_cast %get3A_280 : vector<1x128x128xf32> to vector<128x128xf32>
    %dot_general3A_282 = arith.constant dense<0.000000e+00> : vector<512x128xf32>
    %dot_general3A_283 = tpu.matmul %get3A_276, %get3A_281, %dot_general3A_282 {dimension_numbers = #tpu.dot_dimension_numbers<[1], [0], [0], [1], [0, 0, 1, 1], [], []>, precision = #tpu.contract_precision<fp32>, transpose_lhs_hint = false} : vector<512x128xf32>, vector<128x128xf32>, vector<512x128xf32> -> vector<512x128xf32>
    %add3A_284 = arith.addf %add3A_271, %dot_general3A_283 : vector<512x128xf32>
    %get3A_285 = arith.constant 20 : index
    %get3A_286 = arith.constant 0 : index
    %get3A_287 = arith.constant 0 : index
    %get3A_288 = vector.load %arg1[%get3A_285, %get3A_286, %get3A_287] : memref<26x512x128xf32, #tpu.memory_space<vmem>>, vector<1x512x128xf32>
    %get3A_289 = vector.shape_cast %get3A_288 : vector<1x512x128xf32> to vector<512x128xf32>
    %get3A_290 = arith.constant 20 : index
    %get3A_291 = arith.constant 0 : index
    %get3A_292 = arith.constant 0 : index
    %get3A_293 = vector.load %arg3[%get3A_290, %get3A_291, %get3A_292] : memref<26x128x128xf32, #tpu.memory_space<vmem>>, vector<1x128x128xf32>
    %get3A_294 = vector.shape_cast %get3A_293 : vector<1x128x128xf32> to vector<128x128xf32>
    %dot_general3A_295 = arith.constant dense<0.000000e+00> : vector<512x128xf32>
    %dot_general3A_296 = tpu.matmul %get3A_289, %get3A_294, %dot_general3A_295 {dimension_numbers = #tpu.dot_dimension_numbers<[1], [0], [0], [1], [0, 0, 1, 1], [], []>, precision = #tpu.contract_precision<fp32>, transpose_lhs_hint = false} : vector<512x128xf32>, vector<128x128xf32>, vector<512x128xf32> -> vector<512x128xf32>
    %add3A_297 = arith.addf %add3A_284, %dot_general3A_296 : vector<512x128xf32>
    %get3A_298 = arith.constant 21 : index
    %get3A_299 = arith.constant 0 : index
    %get3A_300 = arith.constant 0 : index
    %get3A_301 = vector.load %arg1[%get3A_298, %get3A_299, %get3A_300] : memref<26x512x128xf32, #tpu.memory_space<vmem>>, vector<1x512x128xf32>
    %get3A_302 = vector.shape_cast %get3A_301 : vector<1x512x128xf32> to vector<512x128xf32>
    %get3A_303 = arith.constant 21 : index
    %get3A_304 = arith.constant 0 : index
    %get3A_305 = arith.constant 0 : index
    %get3A_306 = vector.load %arg3[%get3A_303, %get3A_304, %get3A_305] : memref<26x128x128xf32, #tpu.memory_space<vmem>>, vector<1x128x128xf32>
    %get3A_307 = vector.shape_cast %get3A_306 : vector<1x128x128xf32> to vector<128x128xf32>
    %dot_general3A_308 = arith.constant dense<0.000000e+00> : vector<512x128xf32>
    %dot_general3A_309 = tpu.matmul %get3A_302, %get3A_307, %dot_general3A_308 {dimension_numbers = #tpu.dot_dimension_numbers<[1], [0], [0], [1], [0, 0, 1, 1], [], []>, precision = #tpu.contract_precision<fp32>, transpose_lhs_hint = false} : vector<512x128xf32>, vector<128x128xf32>, vector<512x128xf32> -> vector<512x128xf32>
    %add3A_310 = arith.addf %add3A_297, %dot_general3A_309 : vector<512x128xf32>
    %get3A_311 = arith.constant 22 : index
    %get3A_312 = arith.constant 0 : index
    %get3A_313 = arith.constant 0 : index
    %get3A_314 = vector.load %arg1[%get3A_311, %get3A_312, %get3A_313] : memref<26x512x128xf32, #tpu.memory_space<vmem>>, vector<1x512x128xf32>
    %get3A_315 = vector.shape_cast %get3A_314 : vector<1x512x128xf32> to vector<512x128xf32>
    %get3A_316 = arith.constant 22 : index
    %get3A_317 = arith.constant 0 : index
    %get3A_318 = arith.constant 0 : index
    %get3A_319 = vector.load %arg3[%get3A_316, %get3A_317, %get3A_318] : memref<26x128x128xf32, #tpu.memory_space<vmem>>, vector<1x128x128xf32>
    %get3A_320 = vector.shape_cast %get3A_319 : vector<1x128x128xf32> to vector<128x128xf32>
    %dot_general3A_321 = arith.constant dense<0.000000e+00> : vector<512x128xf32>
    %dot_general3A_322 = tpu.matmul %get3A_315, %get3A_320, %dot_general3A_321 {dimension_numbers = #tpu.dot_dimension_numbers<[1], [0], [0], [1], [0, 0, 1, 1], [], []>, precision = #tpu.contract_precision<fp32>, transpose_lhs_hint = false} : vector<512x128xf32>, vector<128x128xf32>, vector<512x128xf32> -> vector<512x128xf32>
    %add3A_323 = arith.addf %add3A_310, %dot_general3A_322 : vector<512x128xf32>
    %get3A_324 = arith.constant 23 : index
    %get3A_325 = arith.constant 0 : index
    %get3A_326 = arith.constant 0 : index
    %get3A_327 = vector.load %arg1[%get3A_324, %get3A_325, %get3A_326] : memref<26x512x128xf32, #tpu.memory_space<vmem>>, vector<1x512x128xf32>
    %get3A_328 = vector.shape_cast %get3A_327 : vector<1x512x128xf32> to vector<512x128xf32>
    %get3A_329 = arith.constant 23 : index
    %get3A_330 = arith.constant 0 : index
    %get3A_331 = arith.constant 0 : index
    %get3A_332 = vector.load %arg3[%get3A_329, %get3A_330, %get3A_331] : memref<26x128x128xf32, #tpu.memory_space<vmem>>, vector<1x128x128xf32>
    %get3A_333 = vector.shape_cast %get3A_332 : vector<1x128x128xf32> to vector<128x128xf32>
    %dot_general3A_334 = arith.constant dense<0.000000e+00> : vector<512x128xf32>
    %dot_general3A_335 = tpu.matmul %get3A_328, %get3A_333, %dot_general3A_334 {dimension_numbers = #tpu.dot_dimension_numbers<[1], [0], [0], [1], [0, 0, 1, 1], [], []>, precision = #tpu.contract_precision<fp32>, transpose_lhs_hint = false} : vector<512x128xf32>, vector<128x128xf32>, vector<512x128xf32> -> vector<512x128xf32>
    %add3A_336 = arith.addf %add3A_323, %dot_general3A_335 : vector<512x128xf32>
    %get3A_337 = arith.constant 24 : index
    %get3A_338 = arith.constant 0 : index
    %get3A_339 = arith.constant 0 : index
    %get3A_340 = vector.load %arg1[%get3A_337, %get3A_338, %get3A_339] : memref<26x512x128xf32, #tpu.memory_space<vmem>>, vector<1x512x128xf32>
    %get3A_341 = vector.shape_cast %get3A_340 : vector<1x512x128xf32> to vector<512x128xf32>
    %get3A_342 = arith.constant 24 : index
    %get3A_343 = arith.constant 0 : index
    %get3A_344 = arith.constant 0 : index
    %get3A_345 = vector.load %arg3[%get3A_342, %get3A_343, %get3A_344] : memref<26x128x128xf32, #tpu.memory_space<vmem>>, vector<1x128x128xf32>
    %get3A_346 = vector.shape_cast %get3A_345 : vector<1x128x128xf32> to vector<128x128xf32>
    %dot_general3A_347 = arith.constant dense<0.000000e+00> : vector<512x128xf32>
    %dot_general3A_348 = tpu.matmul %get3A_341, %get3A_346, %dot_general3A_347 {dimension_numbers = #tpu.dot_dimension_numbers<[1], [0], [0], [1], [0, 0, 1, 1], [], []>, precision = #tpu.contract_precision<fp32>, transpose_lhs_hint = false} : vector<512x128xf32>, vector<128x128xf32>, vector<512x128xf32> -> vector<512x128xf32>
    %add3A_349 = arith.addf %add3A_336, %dot_general3A_348 : vector<512x128xf32>
    %get3A_350 = arith.constant 25 : index
    %get3A_351 = arith.constant 0 : index
    %get3A_352 = arith.constant 0 : index
    %get3A_353 = vector.load %arg1[%get3A_350, %get3A_351, %get3A_352] : memref<26x512x128xf32, #tpu.memory_space<vmem>>, vector<1x512x128xf32>
    %get3A_354 = vector.shape_cast %get3A_353 : vector<1x512x128xf32> to vector<512x128xf32>
    %get3A_355 = arith.constant 25 : index
    %get3A_356 = arith.constant 0 : index
    %get3A_357 = arith.constant 0 : index
    %get3A_358 = vector.load %arg3[%get3A_355, %get3A_356, %get3A_357] : memref<26x128x128xf32, #tpu.memory_space<vmem>>, vector<1x128x128xf32>
    %get3A_359 = vector.shape_cast %get3A_358 : vector<1x128x128xf32> to vector<128x128xf32>
    %dot_general3A_360 = arith.constant dense<0.000000e+00> : vector<512x128xf32>
    %dot_general3A_361 = tpu.matmul %get3A_354, %get3A_359, %dot_general3A_360 {dimension_numbers = #tpu.dot_dimension_numbers<[1], [0], [0], [1], [0, 0, 1, 1], [], []>, precision = #tpu.contract_precision<fp32>, transpose_lhs_hint = false} : vector<512x128xf32>, vector<128x128xf32>, vector<512x128xf32> -> vector<512x128xf32>
    %add3A_362 = arith.addf %add3A_349, %dot_general3A_361 : vector<512x128xf32>
    %get3A_363 = arith.constant 0 : index
    %get3A_364 = arith.constant 0 : index
    %get3A_365 = vector.load %arg5[%get3A_363, %get3A_364] : memref<1x128xf32, #tpu.memory_space<vmem>>, vector<1x128xf32>
    %add3A_366 = vector.broadcast %get3A_365 : vector<1x128xf32> to vector<512x128xf32>
    %add3A_367 = arith.addf %add3A_362, %add3A_366 : vector<512x128xf32>
    %max3A = arith.constant 0.000000e+00 : f32
    %max3A_368 = vector.broadcast %max3A : f32 to vector<512x128xf32>
    %max3A_369 = arith.maximumf %add3A_367, %max3A_368 : vector<512x128xf32>
    %get3A_370 = arith.constant 0 : index
    %get3A_371 = arith.constant 0 : index
    %get3A_372 = vector.load %arg6[%get3A_370, %get3A_371] : memref<128x128xf32, #tpu.memory_space<vmem>>, vector<128x128xf32>
    %dot_general3A_373 = arith.constant dense<0.000000e+00> : vector<512x128xf32>
    %dot_general3A_374 = tpu.matmul %max3A_369, %get3A_372, %dot_general3A_373 {dimension_numbers = #tpu.dot_dimension_numbers<[1], [0], [0], [1], [0, 0, 1, 1], [], []>, precision = #tpu.contract_precision<fp32>, transpose_lhs_hint = false} : vector<512x128xf32>, vector<128x128xf32>, vector<512x128xf32> -> vector<512x128xf32>
    %get3A_375 = arith.constant 0 : index
    %get3A_376 = arith.constant 0 : index
    %get3A_377 = vector.load %arg7[%get3A_375, %get3A_376] : memref<1x128xf32, #tpu.memory_space<vmem>>, vector<1x128xf32>
    %add3A_378 = vector.broadcast %get3A_377 : vector<1x128xf32> to vector<512x128xf32>
    %add3A_379 = arith.addf %dot_general3A_374, %add3A_378 : vector<512x128xf32>
    %max3A_380 = arith.constant 0.000000e+00 : f32
    %max3A_381 = vector.broadcast %max3A_380 : f32 to vector<512x128xf32>
    %max3A_382 = arith.maximumf %add3A_379, %max3A_381 : vector<512x128xf32>
    %get3A_383 = arith.constant 0 : index
    %get3A_384 = arith.constant 0 : index
    %get3A_385 = vector.load %arg8[%get3A_383, %get3A_384] : memref<128x128xf32, #tpu.memory_space<vmem>>, vector<128x128xf32>
    %dot_general3A_386 = arith.constant dense<0.000000e+00> : vector<512x128xf32>
    %dot_general3A_387 = tpu.matmul %max3A_382, %get3A_385, %dot_general3A_386 {dimension_numbers = #tpu.dot_dimension_numbers<[1], [0], [0], [1], [0, 0, 1, 1], [], []>, precision = #tpu.contract_precision<fp32>, transpose_lhs_hint = false} : vector<512x128xf32>, vector<128x128xf32>, vector<512x128xf32> -> vector<512x128xf32>
    %get3A_388 = arith.constant 0 : index
    %get3A_389 = arith.constant 0 : index
    %get3A_390 = vector.load %arg9[%get3A_388, %get3A_389] : memref<1x128xf32, #tpu.memory_space<vmem>>, vector<1x128xf32>
    %add3A_391 = vector.broadcast %get3A_390 : vector<1x128xf32> to vector<512x128xf32>
    %add3A_392 = arith.addf %dot_general3A_387, %add3A_391 : vector<512x128xf32>
    %max3A_393 = arith.constant 0.000000e+00 : f32
    %max3A_394 = vector.broadcast %max3A_393 : f32 to vector<512x128xf32>
    %max3A_395 = arith.maximumf %add3A_392, %max3A_394 : vector<512x128xf32>
    %get3A_396 = arith.constant 0 : index
    %get3A_397 = arith.constant 0 : index
    %get3A_398 = vector.load %arg10[%get3A_396, %get3A_397] : memref<128x128xf32, #tpu.memory_space<vmem>>, vector<128x128xf32>
    %dot_general3A_399 = arith.constant dense<0.000000e+00> : vector<512x128xf32>
    %dot_general3A_400 = tpu.matmul %max3A_395, %get3A_398, %dot_general3A_399 {dimension_numbers = #tpu.dot_dimension_numbers<[1], [0], [0], [1], [0, 0, 1, 1], [], []>, precision = #tpu.contract_precision<fp32>, transpose_lhs_hint = false} : vector<512x128xf32>, vector<128x128xf32>, vector<512x128xf32> -> vector<512x128xf32>
    %get3A_401 = arith.constant 0 : index
    %get3A_402 = arith.constant 0 : index
    %get3A_403 = vector.load %arg11[%get3A_401, %get3A_402] : memref<1x128xf32, #tpu.memory_space<vmem>>, vector<1x128xf32>
    %add3A_404 = vector.broadcast %get3A_403 : vector<1x128xf32> to vector<512x128xf32>
    %add3A_405 = arith.addf %dot_general3A_400, %add3A_404 : vector<512x128xf32>
    %swap3A = arith.constant 0 : index
    %swap3A_406 = arith.constant 0 : index
    %swap3A_407 = vector.load %arg16[%swap3A, %swap3A_406] : memref<512x128xf32, #tpu.memory_space<vmem>>, vector<512x128xf32>
    tpu.vector_store %arg16[%swap3A, %swap3A_406], %add3A_405 {strides = array<i32>} : memref<512x128xf32, #tpu.memory_space<vmem>>, vector<512x128xf32>,
    return
  }
  func.func @transform_0(%arg0: i32) -> (i32, i32, i32) {
    %c0_i32 = arith.constant 0 : i32
    %c0_i32_0 = arith.constant 0 : i32
    %c0_i32_1 = arith.constant 0 : i32
    return %c0_i32, %arg0, %c0_i32_0 : i32, i32, i32
  }
  func.func @transform_1(%arg0: i32) -> (i32, i32) {
    %c0_i32 = arith.constant 0 : i32
    %c0_i32_0 = arith.constant 0 : i32
    return %arg0, %c0_i32 : i32, i32
  }
  func.func @transform_2(%arg0: i32) -> (i32, i32, i32) {
    %c0_i32 = arith.constant 0 : i32
    %c0_i32_0 = arith.constant 0 : i32
    %c0_i32_1 = arith.constant 0 : i32
    %c0_i32_2 = arith.constant 0 : i32
    return %c0_i32, %c0_i32_0, %c0_i32_1 : i32, i32, i32
  }
  func.func @transform_3(%arg0: i32) -> (i32, i32) {
    %c0_i32 = arith.constant 0 : i32
    %c0_i32_0 = arith.constant 0 : i32
    %c0_i32_1 = arith.constant 0 : i32
    return %c0_i32, %c0_i32_0 : i32, i32
  }
  func.func @transform_4(%arg0: i32) -> (i32, i32) {
    %c0_i32 = arith.constant 0 : i32
    %c0_i32_0 = arith.constant 0 : i32
    %c0_i32_1 = arith.constant 0 : i32
    return %c0_i32, %c0_i32_0 : i32, i32
  }
  func.func @transform_5(%arg0: i32) -> (i32, i32) {
    %c0_i32 = arith.constant 0 : i32
    %c0_i32_0 = arith.constant 0 : i32
    %c0_i32_1 = arith.constant 0 : i32
    return %c0_i32, %c0_i32_0 : i32, i32
  }
  func.func @transform_6(%arg0: i32) -> (i32, i32) {
    %c0_i32 = arith.constant 0 : i32
    %c0_i32_0 = arith.constant 0 : i32
    %c0_i32_1 = arith.constant 0 : i32
    return %c0_i32, %c0_i32_0 : i32, i32
  }
  func.func @transform_7(%arg0: i32) -> (i32, i32) {
    %c0_i32 = arith.constant 0 : i32
    %c0_i32_0 = arith.constant 0 : i32
    %c0_i32_1 = arith.constant 0 : i32
    return %c0_i32, %c0_i32_0 : i32, i32
  }
  func.func @transform_8(%arg0: i32) -> (i32, i32) {
    %c0_i32 = arith.constant 0 : i32
    %c0_i32_0 = arith.constant 0 : i32
    %c0_i32_1 = arith.constant 0 : i32
    return %c0_i32, %c0_i32_0 : i32, i32
  }
  func.func @transform_9(%arg0: i32) -> (i32, i32) {
    %c0_i32 = arith.constant 0 : i32
    %c0_i32_0 = arith.constant 0 : i32
    %c0_i32_1 = arith.constant 0 : i32
    return %c0_i32, %c0_i32_0 : i32, i32
  }
  func.func @transform_10(%arg0: i32) -> (i32, i32) {
    %c0_i32 = arith.constant 0 : i32
    %c0_i32_0 = arith.constant 0 : i32
    %c0_i32_1 = arith.constant 0 : i32
    return %c0_i32, %c0_i32_0 : i32, i32
  }
  func.func @transform_11(%arg0: i32) -> (i32, i32) {
    %c0_i32 = arith.constant 0 : i32
    %c0_i32_0 = arith.constant 0 : i32
    %c0_i32_1 = arith.constant 0 : i32
    return %c0_i32, %c0_i32_0 : i32, i32
  }
  func.func @transform_12(%arg0: i32) -> (i32, i32) {
    %c0_i32 = arith.constant 0 : i32
    %c0_i32_0 = arith.constant 0 : i32
    %c0_i32_1 = arith.constant 0 : i32
    return %c0_i32, %c0_i32_0 : i32, i32
  }
  func.func @transform_13(%arg0: i32) -> (i32, i32) {
    %c0_i32 = arith.constant 0 : i32
    %c0_i32_0 = arith.constant 0 : i32
    %c0_i32_1 = arith.constant 0 : i32
    return %c0_i32, %c0_i32_0 : i32, i32
  }
  func.func @transform_14(%arg0: i32) -> (i32, i32) {
    %c0_i32 = arith.constant 0 : i32
    %c0_i32_0 = arith.constant 0 : i32
    %c0_i32_1 = arith.constant 0 : i32
    return %c0_i32, %c0_i32_0 : i32, i32
  }
  func.func @transform_15(%arg0: i32) -> (i32, i32) {
    %c0_i32 = arith.constant 0 : i32
    %c0_i32_0 = arith.constant 0 : i32
    return %arg0, %c0_i32 : i32, i32
  }
}

</mosaic_0001>

<sc_bundles>
// kernel: kernel.4.cloned.1.call-start
scs
__scs_entry_jumppad:
0x0: {  	(pc) =	sbr.rel $0x88, $3  }
0x1: {  	(tag) =	ssettag $0x0;
	lr =	simm.s32 $0x1  }
0x2: {  	[smem:$0x3F92] =	sst lr;
	_ =	strace $0xD0000000  }
0x3: {  	_ = 	snop  }
0x4: {  	_ = 	snop  }
0x5: {  	_ = 	snop  }
0x6: {  	_ = 	snop  }
0x7: {  	_ = 	snop  }
__scs_overlays_trampoline_lowered:
0x8: {  	[smem:$0x3FA1] =	sst s0  }
0x9: {  	[smem:$0x3FA2] =	sst s1  }
0xa: {  	[smem:$0x3FA3] =	sst s2  }
0xb: {  	[smem:$0x3FA4] =	sst s3  }
0xc: {  	[smem:$0x3FA5] =	sst s4  }
0xd: {  	[smem:$0x3FA6] =	sst s5  }
0xe: {  	[smem:$0x3FA7] =	sst s6  }
0xf: {  	[smem:$0x3FA8] =	sst s7  }
0x10: {  	[smem:$0x3FA9] =	sst s8  }
0x11: {  	[smem:$0x3FAA] =	sst s9;
	s0 =	simm.s32 @!p0 $0x0  }
0x12: {  	s1 =	sld [smem:$0x3F90];
	s0 =	simm.s32 @p0 $0x1  }
0x13: {  	[smem:$0x3FAB] =	sst s0;
	s0 =	simm.s32 @!p1 $0x0  }
0x14: {  	s2 =	sld [smem:$0x3F8F];
	s0 =	simm.s32 @p1 $0x1  }
0x15: {  	[smem:$0x3FAC] =	sst s0;
	s0 =	simm.s32 @!p2 $0x0  }
0x16: {  	s3 =	sld [smem:$0x3FDB];
	s0 =	simm.s32 @p2 $0x1  }
0x17: {  	s4 =	simm.s32 $0x1BF5;
	[smem:$0x3FAE] =	sst s0  }
0x18: {  	s0 =	sld [smem:$0x3F91];
	_ =	swait.ge [sflag:s4], $0x0  }
0x19: {  	s7 =	sld [smem:$0x3F92]  }
0x1a: {  	s8 =	sadd.s32 $0xFFFFE003, lr  }
0x1b: {  	s9 =	sadd.s32 $0xFFFFFEF7, lr;
	s5 =	simm.s32 $0xFFFFFFFF;
	p2 =	slt.u32 s8, $0xFFFFF086  }
0x1c: {  	p1 =	slt.u32 s9, $0xF7A;
	s5 =	simm.s32 @!p2 $0x0  }
0x1d: {  	s5 =	simm.s32 @p1 $0x1;
	p0 =	seq.s32 s7, s2  }
0x1e: {  	s7 =	smul.u32 @!p0 $0xF7A, s2;
	p2 =	seq.s32 @!p0 s5, $0x0  }
0x1f: {  	s9 =	smul.u32 $0xF7A, s1;
	s8 =	simm.s32 @!p0 $0x1BF5;
	p2 =	por !p2, p0  }
0x20: {  	[sflag:s8] =	ssyncset.s32 @!p0 $0xFFFFF086;
	s6 =	sadd.s32 @!p0 s3, s7;
	s7 =	simm.s32 @!p0 $0x108  }
0x21: {  	s3 =	sadd.s32 s3, s9;
	s6 =	sadd.s32 @!p0 $0x88, s6;
	s7 =	simm.s32 @p2 $0x1082  }
0x22: {  	[simem:s7], [sflag:s8] =	dma.local @!p0 [hbm:s6], $0xF7A  }
0x23: {  	s9 =	sor.u32 $0xD0000000, s2;
	s6 =	simm.s32 $0x108;
	_ =	swait.ge @!p0 [sflag:s8], $0x0  }
0x24: {  	s3 =	sadd.s32 $0x88, s3;
	s6 =	simm.s32 @!p1 $0x1082;
	[sflag:s4] =	ssyncset.s32 $0xFFFFF086  }
0x25: {  	[simem:s6], [sflag:s4] =	dma.local [hbm:s3], $0xF7A  }
0x26: {  	[smem:$0x3F92] =	sst s1;
	(tag) =	ssettag s2;
	_ =	strace s9  }
0x27: {  	s1 =	sld [smem:$0x3FA2]  }
0x28: {  	s2 =	sld [smem:$0x3FA3]  }
0x29: {  	s4 =	sld [smem:$0x3FA5]  }
0x2a: {  	p0 =	seq.s32 s5, $0x0;
	s5 =	sld [smem:$0x3FA6]  }
0x2b: {  	s6 =	sld [smem:$0x3FA7]  }
0x2c: {  	s7 =	sld [smem:$0x3FA8]  }
0x2d: {  	s3 =	simm.s32 $0x108;
	s8 =	sld [smem:$0x3FA9]  }
0x2e: {  	s3 =	simm.s32 @!p0 $0x1082;
	s9 =	sld [smem:$0x3FAA]  }
0x2f: {  	lr =	sadd.s32 s0, s3;
	s0 =	sld [smem:$0x3FA1]  }
0x30: {  	s3 =	sld [smem:$0x3FA4]  }
0x31: {  	[smem:$0x3FAD] =	sst s10  }
0x32: {  	s10 =	sld [smem:$0x3FAB];
	_ =	sdelay $0x3  }
0x33: {  	p0 =	seq.s32 s10, $0x1;
	s10 =	sld [smem:$0x3FAD];
	_ =	sdelay $0x3  }
0x34: {  	[smem:$0x3FAD] =	sst s10  }
0x35: {  	s10 =	sld [smem:$0x3FAC];
	_ =	sdelay $0x3  }
0x36: {  	p1 =	seq.s32 s10, $0x1;
	s10 =	sld [smem:$0x3FAD];
	_ =	sdelay $0x3  }
0x37: {  	[smem:$0x3FAD] =	sst s10  }
0x38: {  	s10 =	sld [smem:$0x3FAE]  }
0x39: {  	_ = 	snop;
	(pc) =	sbr.ind lr, $3  }
0x3a: {  	_ = 	snop  }
0x3b: {  	_ = 	snop  }
0x3c: {  	p2 =	seq.s32 s10, $0x1;
	s10 =	sld [smem:$0x3FAD]  }
0x3d: {  	_ =	shalt  }
0x3e: {  	_ =	shalt  }
0x3f: {  	_ =	shalt  }
0x40: {  	_ =	shalt  }
0x41: {  	_ =	shalt  }
0x42: {  	_ =	shalt  }
0x43: {  	_ =	shalt  }
0x44: {  	_ =	shalt  }
0x45: {  	_ =	shalt  }
0x46: {  	_ =	shalt  }
0x47: {  	_ =	shalt  }
0x48: {  	_ =	shalt  }
0x49: {  	_ =	shalt  }
0x4a: {  	_ =	shalt  }
0x4b: {  	_ =	shalt  }
0x4c: {  	_ =	shalt  }
0x4d: {  	_ =	shalt  }
0x4e: {  	_ =	shalt  }
0x4f: {  	_ =	shalt  }
0x50: {  	_ =	shalt  }
0x51: {  	_ =	shalt  }
0x52: {  	_ =	shalt  }
0x53: {  	_ =	shalt  }
0x54: {  	_ =	shalt  }
0x55: {  	_ =	shalt  }
0x56: {  	_ =	shalt  }
0x57: {  	_ =	shalt  }
0x58: {  	_ =	shalt  }
0x59: {  	_ =	shalt  }
0x5a: {  	_ =	shalt  }
0x5b: {  	_ =	shalt  }
0x5c: {  	_ =	shalt  }
0x5d: {  	_ =	shalt  }
0x5e: {  	_ =	shalt  }
0x5f: {  	_ =	shalt  }
0x60: {  	_ =	shalt  }
0x61: {  	_ =	shalt  }
0x62: {  	_ =	shalt  }
0x63: {  	_ =	shalt  }
0x64: {  	_ =	shalt  }
0x65: {  	_ =	shalt  }
0x66: {  	_ =	shalt  }
0x67: {  	_ =	shalt  }
0x68: {  	_ =	shalt  }
0x69: {  	_ =	shalt  }
0x6a: {  	_ =	shalt  }
0x6b: {  	_ =	shalt  }
0x6c: {  	_ =	shalt  }
0x6d: {  	_ =	shalt  }
0x6e: {  	_ =	shalt  }
0x6f: {  	_ =	shalt  }
0x70: {  	_ =	shalt  }
0x71: {  	_ =	shalt  }
0x72: {  	_ =	shalt  }
0x73: {  	_ =	shalt  }
0x74: {  	_ =	shalt  }
0x75: {  	_ =	shalt  }
0x76: {  	_ =	shalt  }
0x77: {  	_ =	shalt  }
0x78: {  	_ =	shalt  }
0x79: {  	_ =	shalt  }
0x7a: {  	_ =	shalt  }
0x7b: {  	_ =	shalt  }
0x7c: {  	_ =	shalt  }
0x7d: {  	_ =	shalt  }
0x7e: {  	_ =	shalt  }
0x7f: {  	_ =	shalt  }
0x80: {  	_ =	shalt  }
0x81: {  	_ =	shalt  }
0x82: {  	_ =	shalt  }
0x83: {  	_ =	shalt  }
0x84: {  	_ =	shalt  }
0x85: {  	_ =	shalt  }
0x86: {  	_ =	shalt  }
0x87: {  	_ =	shalt  }
.Lfunc_end0:
.L_simem_size_0:
called_computation_lowered:
.L_overlay_start_0:
0x88: {  	s2 =	sld [smem:$0x3FD9]  }
0x89: {  	s3 =	sld [smem:$0x3FFE];
	_ =	sdelay $0x1  }
0x8a: {  	s1 =	srdreg.scid  }
0x8b: {  	s0 =	sand.u32 $0x1, s1  }
0x8c: {  	s16 =	sshll.u32 s0, $0xA;
	s2 =	sadd.s32 s3, s2  }
0x8d: {  	s2 =	sadd.s32 s2, s16  }
0x8e: {  	[smem:$0x3FB9] =	sst s2  }
0x8f: {  	_ = 	snop  }
0x90: {  	(tm) =	ssettm $0x1  }
0x91: {  	s17 =	sld [smem:$0x3FFB];
	_ =	sdelay $0x3  }
0x92: {  	_ =	strace s17  }
0x93: {  	s2 =	sld [smem:$0x3FFC];
	_ =	sdelay $0x3  }
0x94: {  	_ =	strace s2  }
0x95: {  	s2 =	sld [smem:$0x3FFD];
	_ =	sdelay $0x3  }
0x96: {  	_ =	strace s2  }
0x97: {  	_ =	strace $0x8FFFFFFF  }
0x98: {  	s18 =	sld [smem:$0x3FDB];
	_ =	sdelay $0x1  }
0x99: {  	s19 =	simm.s32 $_scs_section_size  }
0x9a: {  	s4 =	simm.s32 $_size__tile_overlayer_lowered;
	s5 =	simm.s32 $_tile_overlayer_lowered  }
0x9b: {  	s22 =	simm.s32 $0x1BFF;
	s21 =	sshll.u32 s5, $0x1;
	s2 =	sadd.s32 s19, s18  }
0x9c: {  	s6 =	simm.s32 $0x0;
	s20 =	sshll.u32 s4, $0x1;
	s4 =	sadd.s32 s21, s2  }
0x9d: {  	[timem:s6], [sflag:s22] =	dma.local [hbm:s4], s20  }
0x9e: {  	_ =	swait.ge [sflag:s22], s20  }
0x9f: {  	s3 =	ssub.s32 $0x0, s20;
	[sflag:s22] =	ssyncset.done $0x0  }
0xa0: {  	[sflag:s22] =	ssyncadd.s32 s3;
	_ =	sdelay $0x1  }
0xa1: {  	s23 =	simm.s32 $0x1B8B  }
0xa2: {  	_ =	swait.ge [sflag:s23], $0x1  }
0xa3: {  	[sflag:s23] =	ssyncset.done $0x0  }
0xa4: {  	s25 =	simm.s32 $0x1B8E;
	s24 =	sld [smem:$0x3FFE];
	[sflag:s23] =	ssyncadd.s32 $0xFFFFFFFF  }
0xa5: {  	s26 =	simm.s32 $execute0_lowered;
	[smem:$0x3FD2] =	sst s25  }
0xa6: {  	s4 =	sshll.u32 s26, $0x1;
	_ =	strace $0x80000046;
	[dreg:$0x1] =	wrdreg $0xFFFFFFFF  }
0xa7: {  	s28 =	simm.s32 $_size_execute0_lowered;
	s2 =	sadd.s32 s2, s4;
	[dreg:$0x0] =	wrdreg $0x0  }
0xa8: {  	s4 =	sshll.u32 s28, $0x1;
	[dreg:$0x2] =	wrdreg s2  }
0xa9: {  	[dreg:$0x3] =	wrdreg s4  }
0xaa: {  	[dreg:$0x4] =	wrdreg $0xC0  }
0xab: {  	_ =	task [dreg:s6], $0x5FFFF  }
0xac: {  	[dreg:$0x1] =	wrdreg $0xFFFFFFFF  }
0xad: {  	[dreg:$0x0] =	wrdreg $0x60  }
0xae: {  	[dreg:$0x2] =	wrdreg s24  }
0xaf: {  	[dreg:$0x3] =	wrdreg $0x9  }
0xb0: {  	_ =	task.clear_ibuf [dreg:s6], $0x4FFFF;
	_ =	strace $0x90000046  }
0xb1: {  	s29 =	simm.s32 $0x9;
	_ =	strace $0x80000048  }
0xb2: {  	_ =	swait.ge [sflag:s29], $0x1  }
0xb3: {  	[sflag:s29] =	ssyncadd.s32 $0xFFFFFFFF  }
0xb4: {  	_ =	strace $0x90000048  }
0xb5: {  	_ =	sfence  }
0xb6: {  	s30 =	sld [smem:$0x0];
	_ =	sdelay $0x2  }
0xb7: {  	s31 =	sshll.u32 s1, $0xD;
	s1 =	sshrl.u32 s1, $0x2  }
0xb8: {  	s3 =	sand.u32 $0x4000, s31;
	s1 =	sadd.s32 s1, s30  }
0xb9: {  	s0 =	sor.u32 s3, s0;
	s1 =	sshll.u32 s1, $0x11  }
0xba: {  	s0 =	sor.u32 s1, s0  }
0xbb: {  	s0 =	sadd.s32 $0x8F2B, s0  }
0xbc: {  	[sflag:s0] =	ssyncadd.remote.s32 $0x1  }
0xbd: {  	_ =	sfence.sel $0xFFFF  }
0xbe: {  	[dreg:$0x0] =	wrdreg $0xFFFFFFFF;
	(pc) =	sbr.abs _section_cstart, $3  }
0xbf: {  	[dreg:$0x1] =	wrdreg $0xFFFFFFFF  }
0xc0: {  	_ =	task.clear_ibuf [dreg:s6], $0x2FFFF;
	_ =	strace $0x9FFFFFFF  }
0xc1: {  	(tm) =	ssettm $0x7FFFFFFF  }
tec
execute0_lowered:
.L_overlay_start_1:
0x0: {  	(tag) =	ssettag $0x1  }
0x1: {  	s4 =	rddreg [dreg:$0x0]  }
0x2: {  	s0 =	rddreg [dreg:$0x1];
	s2 =	simm.s32 $0x0;
	s3 =	srdreg.scid  }
0x3: {  	s1 =	stileid.u32;
	s10 =	simm.s32 $0x180;
	s11 =	simm.s32 $0x200  }
0x4: {  	s12 =	simm.s32 $0xA00;
	s13 =	simm.s32 $0x1200;
	s14 =	simm.s32 $0x1A00  }
0x5: {  	s15 =	simm.s32 $0x1;
	s16 =	simm.s32 $0x0;
	[smem:$0x7FF] =	sst s2  }
0x6: {  	s5 =	sand.u32 $0x1, s3;
	s6 =	sshll.u32 s1, $0xA;
	s3 =	sadd.s32 $0x27AE600, s4  }
0x7: {  	s8 =	sshll.u32 s1, $0xB;
	_ =	strace $0x80000047;
	s7 =	sshll.u32 s5, $0x9  }
0x8: {  	s31 =	ssub.s32 $0x2, s5;
	s8 =	sadd.s32 s8, s4;
	s5 =	sshll.u32 s5, $0xA  }
0x9: {  	s6 =	sor.u32 s7, s6;
	s9 =	sshrl.u32 s31, $0x1;
	s5 =	sadd.s32 s5, s8  }
0xa: {  	s8 =	simm.s32 $0x80;
	s6 =	sshrl.u32 s6, $0x3;
	s7 =	ssub.s32 s31, s9  }
0xb: {  	s5 =	sadd.s32 $0xF200, s5;
	s9 =	simm.s32 $0x100;
	s6 =	sadd.s32 s6, s4  }
0xc: {  	s4 =	smax.u32 s7, $0x1;
	s7 =	simm.s32 $0x2;
	s6 =	sadd.s32 $0x2200, s6  }
.LBB2_1:
0xd: {  	s17 =	sadd.s32 $0x0, s6  }
0xe: {  	[tilespmem:s2], [sflag:$0x2] =	stream.linear.gather [hbm4b:s17+s2], $0x80, $0x38;
	[tilespmem:$0x2200] =	vst v63  }
0xf: {  	_ =	swait.ge [sflag:s7], $0x80  }
0x10: {  	[sflag:s7] =	ssyncset.done $0x0  }
0x11: {  	s18 =	sadd.s32 $0x10, s17;
	[sflag:s7] =	ssyncadd.s32 $0xFFFFFF80  }
0x12: {  	[tilespmem:s8], [sflag:$0x2] =	stream.linear.gather [hbm4b:s18+s2], $0x80, $0x38;
	[tilespmem:$0x2200] =	vst v63  }
0x13: {  	_ =	swait.ge [sflag:s7], $0x80  }
0x14: {  	[sflag:s7] =	ssyncset.done $0x0  }
0x15: {  	s31 =	sadd.s32 $0x20, s17;
	[sflag:s7] =	ssyncadd.s32 $0xFFFFFF80  }
0x16: {  	[tilespmem:s9], [sflag:$0x2] =	stream.linear.gather [hbm4b:s31+s2], $0x80, $0x38;
	[tilespmem:$0x2200] =	vst v63  }
0x17: {  	_ =	swait.ge [sflag:s7], $0x80  }
0x18: {  	[sflag:s7] =	ssyncset.done $0x0  }
0x19: {  	s17 =	sadd.s32 $0x30, s17;
	[sflag:s7] =	ssyncadd.s32 $0xFFFFFF80  }
0x1a: {  	[tilespmem:s10], [sflag:$0x2] =	stream.linear.gather [hbm4b:s17+s2], $0x80, $0x38;
	[tilespmem:$0x2200] =	vst v63  }
0x1b: {  	_ =	swait.ge [sflag:s7], $0x80  }
0x1c: {  	[sflag:s7] =	ssyncset.done $0x0  }
0x1d: {  	[sflag:s7] =	ssyncadd.s32 $0xFFFFFF80  }
0x1e: {  	s19 =	simm.s32 $0x800;
	s20 =	simm.s32 $0x0;
	v0 =	vld [tilespmem:$0x1C0]  }
0x1f: {  	s21 =	smov.u32 s5;
	s18 =	simm.s32 $0x0;
	s17 =	smov.u32 s5;
	v1 =	vld [tilespmem:$0x1D0]  }
.LBB2_2:
0x20: {  	p0 =	sne.s32 s19, $0xC800;
	v2 =	vld [tilespmem:$0x1E0];
	s20 =	sadd.s32 $0x186A0, s20;
	s21 =	sadd.s32 $0x8000, s21  }
0x21: {  	s22 =	smov.u32 s19;
	s19 =	sadd.s32 $0x800, s19;
	v3 =	vld [tilespmem:$0x20]  }
0x22: {  	v4 =	vld [tilespmem:$0x0]  }
0x23: {  	v5 =	vld [tilespmem:$0x130]  }
0x24: {  	v6 =	vld [tilespmem:$0x80]  }
0x25: {  	v1 =	vadd.s32 s18, v1;
	v2 =	vadd.s32 s18, v2;
	v7 =	vld [tilespmem:$0x1F0]  }
0x26: {  	v0 =	vadd.s32 s18, v0;
	v3 =	vadd.s32 s18, v3;
	v8 =	vld [tilespmem:$0x1B0];
	[tilespmem:$0x1E0] =	vst v2  }
0x27: {  	v2 =	vadd.s32 s18, v4;
	[tilespmem:$0x20] =	vst v3;
	v3 =	vld [tilespmem:$0x170]  }
0x28: {  	v4 =	vadd.s32 s18, v5;
	v5 =	vld [tilespmem:$0x190];
	[tilespmem:$0x1D0] =	vst v1  }
0x29: {  	v1 =	vld [tilespmem:$0x40];
	[tilespmem:$0x1C0] =	vst v0  }
0x2a: {  	v0 =	vld [tilespmem:$0x50];
	[tilespmem:$0x130] =	vst v4;
	v4 =	vadd.s32 s18, v7  }
0x2b: {  	v7 =	vld [tilespmem:$0x60];
	v8 =	vadd.s32 s18, v8;
	[tilespmem:$0x1F0] =	vst v4  }
0x2c: {  	v4 =	vld [tilespmem:$0x70];
	v3 =	vadd.s32 s18, v3;
	[tilespmem:$0x1B0] =	vst v8  }
0x2d: {  	v8 =	vld [tilespmem:$0x160];
	[tilespmem:$0x170] =	vst v3;
	v3 =	vadd.s32 s18, v5  }
0x2e: {  	v1 =	vadd.s32 s18, v1;
	v5 =	vld [tilespmem:$0x90];
	[tilespmem:$0x190] =	vst v3  }
0x2f: {  	[tilespmem:$0x40] =	vst v1;
	v0 =	vadd.s32 s18, v0;
	v1 =	vld [tilespmem:$0x180]  }
0x30: {  	[tilespmem:$0x50] =	vst v0;
	v0 =	vadd.s32 s18, v7;
	v3 =	vld [tilespmem:$0xA0]  }
0x31: {  	[tilespmem:$0x60] =	vst v0;
	v0 =	vadd.s32 s18, v4;
	v4 =	vld [tilespmem:$0x150]  }
0x32: {  	v7 =	vld [tilespmem:$0x30];
	[tilespmem:$0x70] =	vst v0;
	v0 =	vadd.s32 s18, v6;
	v6 =	vadd.s32 s18, v8  }
0x33: {  	v8 =	vld [tilespmem:$0x140];
	[tilespmem:$0x160] =	vst v6  }
0x34: {  	[tilespmem:$0x80] =	vst v0;
	v0 =	vadd.s32 s18, v5;
	v5 =	vld [tilespmem:$0xC0];
	v1 =	vadd.s32 s18, v1  }
0x35: {  	v6 =	vld [tilespmem:$0xB0];
	[tilespmem:$0x180] =	vst v1  }
0x36: {  	[tilespmem:$0x90] =	vst v0;
	v0 =	vadd.s32 s18, v3;
	v1 =	vld [tilespmem:$0xD0];
	v3 =	vadd.s32 s18, v4  }
0x37: {  	v4 =	vld [tilespmem:$0x120];
	[tilespmem:$0x150] =	vst v3  }
0x38: {  	v3 =	vadd.s32 s18, v7;
	[tilespmem:$0xA0] =	vst v0;
	v0 =	vld [tilespmem:$0xE0];
	v7 =	vadd.s32 s18, v8  }
0x39: {  	v5 =	vadd.s32 s18, v5;
	v8 =	vld [tilespmem:$0x110];
	[tilespmem:$0x140] =	vst v7  }
0x3a: {  	v7 =	vld [tilespmem:$0x10];
	v6 =	vadd.s32 s18, v6;
	[tilespmem:$0xC0] =	vst v5  }
0x3b: {  	[tilespmem:$0xB0] =	vst v6;
	v1 =	vadd.s32 s18, v1;
	v5 =	vld [tilespmem:$0x100]  }
0x3c: {  	[tilespmem:$0xD0] =	vst v1;
	v1 =	vadd.s32 s18, v4  }
0x3d: {  	[tilespmem:$0x120] =	vst v1  }
0x3e: {  	v0 =	vadd.s32 s18, v0;
	[tilespmem:$0x30] =	vst v3;
	v1 =	vadd.s32 s18, v8;
	v3 =	vld [tilespmem:$0x1A0]  }
0x3f: {  	v4 =	vld [tilespmem:$0xF0];
	[tilespmem:$0x110] =	vst v1  }
0x40: {  	v1 =	vadd.s32 s18, v7;
	[tilespmem:$0xE0] =	vst v0;
	v0 =	vadd.s32 s18, v5  }
0x41: {  	[tilespmem:$0x100] =	vst v0  }
0x42: {  	[tilespmem:$0x10] =	vst v1  }
0x43: {  	[tilespmem:$0x0] =	vst v2;
	v0 =	vadd.s32 s18, v3  }
0x44: {  	v1 =	vadd.s32 s18, v4;
	[tilespmem:$0x1A0] =	vst v0;
	s18 =	smov.u32 s20  }
0x45: {  	[tilespmem:$0xF0] =	vst v1  }
0x46: {  	[tilespmem:s11], [sflag:$0x1] =	stream.indirect.gather [hbm4b:s3+s8], $0x10, s2, s8, $0xb8;
	[tilespmem:$0x2200] =	vst v63  }
0x47: {  	_ = 	snop  }
0x48: {  	[tilespmem:s12], [sflag:$0x1] =	stream.indirect.gather [hbm4b:s3+s8], $0x10, s8, s8, $0xb8;
	[tilespmem:$0x2200] =	vst v63  }
0x49: {  	_ = 	snop  }
0x4a: {  	[tilespmem:s13], [sflag:$0x1] =	stream.indirect.gather [hbm4b:s3+s8], $0x10, s9, s8, $0xb8;
	[tilespmem:$0x2200] =	vst v63  }
0x4b: {  	_ = 	snop  }
0x4c: {  	[tilespmem:s14], [sflag:$0x1] =	stream.indirect.gather [hbm4b:s3+s8], $0x10, s10, s8, $0xb8;
	[tilespmem:$0x2200] =	vst v63  }
0x4d: {  	_ =	swait.ge [sflag:s15], $0x800  }
0x4e: {  	[sflag:s15] =	ssyncset.done $0x0  }
0x4f: {  	[sflag:s15] =	ssyncadd.s32 $0xFFFFF800  }
0x50: {  	_ =	swait.ge [sflag:s15], $0x800  }
0x51: {  	[sflag:s15] =	ssyncset.done $0x0  }
0x52: {  	[sflag:s15] =	ssyncadd.s32 $0xFFFFF800  }
0x53: {  	_ =	swait.ge [sflag:s15], $0x800  }
0x54: {  	[sflag:s15] =	ssyncset.done $0x0  }
0x55: {  	[sflag:s15] =	ssyncadd.s32 $0xFFFFF800  }
0x56: {  	_ =	swait.ge [sflag:s15], $0x800  }
0x57: {  	[sflag:s15] =	ssyncset.done $0x0  }
0x58: {  	[sflag:s15] =	ssyncadd.s32 $0xFFFFF800  }
0x59: {  	[hbm4b:s17+s2] =	stream.linear.scatter [tilespmem:s11], [sflag:$0x2], $0x2000, $0x38;
	[tilespmem:$0x2200] =	vst v63  }
0x5a: {  	s17 =	smov.u32 s21;
	_ =	swait.ge [sflag:s7], $0x2000  }
0x5b: {  	[sflag:s7] =	ssyncset.done $0x0  }
0x5c: {  	s22 =	sadd.s32 s22, s6;
	[sflag:s7] =	ssyncadd.s32 $0xFFFFE000  }
0x5d: {  	[tilespmem:s2], [sflag:$0x2] =	stream.linear.gather [hbm4b:s22+s2], $0x80, $0x38;
	[tilespmem:$0x2200] =	vst v63  }
0x5e: {  	_ =	swait.ge [sflag:s7], $0x80  }
0x5f: {  	[sflag:s7] =	ssyncset.done $0x0  }
0x60: {  	s23 =	sadd.s32 $0x10, s22;
	[sflag:s7] =	ssyncadd.s32 $0xFFFFFF80  }
0x61: {  	[tilespmem:s8], [sflag:$0x2] =	stream.linear.gather [hbm4b:s23+s2], $0x80, $0x38;
	[tilespmem:$0x2200] =	vst v63  }
0x62: {  	_ =	swait.ge [sflag:s7], $0x80  }
0x63: {  	[sflag:s7] =	ssyncset.done $0x0  }
0x64: {  	s23 =	sadd.s32 $0x20, s22;
	[sflag:s7] =	ssyncadd.s32 $0xFFFFFF80  }
0x65: {  	[tilespmem:s9], [sflag:$0x2] =	stream.linear.gather [hbm4b:s23+s2], $0x80, $0x38;
	[tilespmem:$0x2200] =	vst v63  }
0x66: {  	_ =	swait.ge [sflag:s7], $0x80  }
0x67: {  	[sflag:s7] =	ssyncset.done $0x0  }
0x68: {  	s22 =	sadd.s32 $0x30, s22;
	[sflag:s7] =	ssyncadd.s32 $0xFFFFFF80  }
0x69: {  	[tilespmem:s10], [sflag:$0x2] =	stream.linear.gather [hbm4b:s22+s2], $0x80, $0x38;
	[tilespmem:$0x2200] =	vst v63  }
.Ltmp0:
0x6a: {  	_ =	swait.ge [sflag:s7], $0x80;
	(pc) =	sbr.rel @p0 .LBB2_2-.Ltmp0, $4  }
0x6b: {  	[sflag:s7] =	ssyncset.done $0x0  }
0x6c: {  	[sflag:s7] =	ssyncadd.s32 $0xFFFFFF80  }
0x6d: {  	v0 =	vld [tilespmem:$0x1C0]  }
0x6e: {  	v1 =	vld [tilespmem:$0x1D0]  }
0x6f: {  	v2 =	vld [tilespmem:$0x1E0]  }
0x70: {  	v3 =	vld [tilespmem:$0x20]  }
0x71: {  	v4 =	vld [tilespmem:$0x130]  }
0x72: {  	v5 =	vld [tilespmem:$0x1F0];
	v0 =	vadd.s32 s18, v0  }
0x73: {  	v6 =	vld [tilespmem:$0x1B0];
	v1 =	vadd.s32 s18, v1;
	[tilespmem:$0x1C0] =	vst v0  }
0x74: {  	v23 =	vld [tilespmem:$0x190];
	v2 =	vadd.s32 s18, v2;
	[tilespmem:$0x1D0] =	vst v1  }
0x75: {  	v25 =	vld [tilespmem:$0x40];
	v3 =	vadd.s32 s18, v3;
	[tilespmem:$0x1E0] =	vst v2  }
0x76: {  	v26 =	vld [tilespmem:$0x50];
	v24 =	vadd.s32 s18, v4;
	[tilespmem:$0x20] =	vst v3  }
0x77: {  	v28 =	vld [tilespmem:$0x60];
	v27 =	vadd.s32 s18, v5;
	[tilespmem:$0x130] =	vst v24  }
0x78: {  	v29 =	vld [tilespmem:$0x70];
	v6 =	vadd.s32 s18, v6;
	[tilespmem:$0x1F0] =	vst v27  }
0x79: {  	v30 =	vld [tilespmem:$0x160];
	v31 =	vadd.s32 s18, v23;
	[tilespmem:$0x1B0] =	vst v6  }
0x7a: {  	v34 =	vld [tilespmem:$0x90];
	v4 =	vadd.s32 s18, v25;
	[tilespmem:$0x190] =	vst v31  }
0x7b: {  	v37 =	vld [tilespmem:$0x150];
	v0 =	vadd.s32 s18, v26;
	[tilespmem:$0x40] =	vst v4  }
0x7c: {  	v38 =	vld [tilespmem:$0xA0];
	v35 =	vadd.s32 s18, v28;
	[tilespmem:$0x50] =	vst v0  }
0x7d: {  	v40 =	vld [tilespmem:$0x140];
	v36 =	vadd.s32 s18, v29;
	[tilespmem:$0x60] =	vst v35  }
0x7e: {  	v44 =	vld [tilespmem:$0xD0];
	v39 =	vadd.s32 s18, v30;
	[tilespmem:$0x70] =	vst v36  }
0x7f: {  	v46 =	vld [tilespmem:$0x120];
	v42 =	vadd.s32 s18, v34;
	[tilespmem:$0x160] =	vst v39  }
0x80: {  	v49 =	vld [tilespmem:$0x110];
	v1 =	vadd.s32 s18, v37;
	[tilespmem:$0x90] =	vst v42  }
0x81: {  	v52 =	vld [tilespmem:$0x100];
	v45 =	vadd.s32 s18, v38;
	[tilespmem:$0x150] =	vst v1  }
0x82: {  	v53 =	vld [tilespmem:$0x10];
	v48 =	vadd.s32 s18, v40;
	[tilespmem:$0xA0] =	vst v45  }
0x83: {  	v55 =	vld [tilespmem:$0x0];
	v51 =	vadd.s32 s18, v44;
	[tilespmem:$0x140] =	vst v48  }
0x84: {  	v57 =	vld [tilespmem:$0x1A0];
	v54 =	vadd.s32 s18, v46;
	[tilespmem:$0xD0] =	vst v51  }
0x85: {  	v58 =	vld [tilespmem:$0xF0];
	v56 =	vadd.s32 s18, v49;
	[tilespmem:$0x120] =	vst v54  }
0x86: {  	v22 =	vld [tilespmem:$0x170];
	v59 =	vadd.s32 s18, v52;
	[tilespmem:$0x110] =	vst v56  }
0x87: {  	v32 =	vld [tilespmem:$0x80];
	v60 =	vadd.s32 s18, v53;
	[tilespmem:$0x100] =	vst v59  }
0x88: {  	v41 =	vld [tilespmem:$0xC0];
	v61 =	vadd.s32 s18, v55;
	[tilespmem:$0x10] =	vst v60  }
0x89: {  	v43 =	vld [tilespmem:$0xB0];
	v62 =	vadd.s32 s18, v57;
	[tilespmem:$0x0] =	vst v61  }
0x8a: {  	v47 =	vld [tilespmem:$0x30];
	v63 =	vadd.s32 s18, v58;
	[tilespmem:$0x1A0] =	vst v62  }
0x8b: {  	v33 =	vld [tilespmem:$0x180];
	v2 =	vadd.s32 s18, v22;
	[tilespmem:$0xF0] =	vst v63  }
0x8c: {  	v50 =	vld [tilespmem:$0xE0];
	v3 =	vadd.s32 s18, v32;
	[tilespmem:$0x170] =	vst v2  }
0x8d: {  	v0 =	vadd.s32 s18, v41;
	[tilespmem:$0x80] =	vst v3  }
0x8e: {  	v4 =	vadd.s32 s18, v43;
	[tilespmem:$0xC0] =	vst v0  }
0x8f: {  	v1 =	vadd.s32 s18, v47;
	[tilespmem:$0xB0] =	vst v4  }
0x90: {  	v2 =	vadd.s32 s18, v33;
	[tilespmem:$0x30] =	vst v1  }
0x91: {  	v3 =	vadd.s32 s18, v50;
	[tilespmem:$0x180] =	vst v2  }
0x92: {  	[tilespmem:$0xE0] =	vst v3  }
0x93: {  	[tilespmem:s11], [sflag:$0x1] =	stream.indirect.gather [hbm4b:s3+s8], $0x10, s2, s8, $0xb8;
	[tilespmem:$0x2200] =	vst v63  }
0x94: {  	_ = 	snop  }
0x95: {  	[tilespmem:s12], [sflag:$0x1] =	stream.indirect.gather [hbm4b:s3+s8], $0x10, s8, s8, $0xb8;
	[tilespmem:$0x2200] =	vst v63  }
0x96: {  	_ = 	snop  }
0x97: {  	[tilespmem:s13], [sflag:$0x1] =	stream.indirect.gather [hbm4b:s3+s8], $0x10, s9, s8, $0xb8;
	[tilespmem:$0x2200] =	vst v63  }
0x98: {  	_ = 	snop  }
0x99: {  	[tilespmem:s14], [sflag:$0x1] =	stream.indirect.gather [hbm4b:s3+s8], $0x10, s10, s8, $0xb8;
	[tilespmem:$0x2200] =	vst v63  }
0x9a: {  	_ =	swait.ge [sflag:s15], $0x800  }
0x9b: {  	[sflag:s15] =	ssyncset.done $0x0  }
0x9c: {  	[sflag:s15] =	ssyncadd.s32 $0xFFFFF800  }
0x9d: {  	_ =	swait.ge [sflag:s15], $0x800  }
0x9e: {  	[sflag:s15] =	ssyncset.done $0x0  }
0x9f: {  	[sflag:s15] =	ssyncadd.s32 $0xFFFFF800  }
0xa0: {  	_ =	swait.ge [sflag:s15], $0x800  }
0xa1: {  	[sflag:s15] =	ssyncset.done $0x0  }
0xa2: {  	[sflag:s15] =	ssyncadd.s32 $0xFFFFF800  }
0xa3: {  	s16 =	sadd.s32 $0x1, s16;
	_ =	swait.ge [sflag:s15], $0x800  }
0xa4: {  	p0 =	sne.s32 s16, s4;
	[sflag:s15] =	ssyncset.done $0x0  }
.Ltmp1:
0xa5: {  	[sflag:s15] =	ssyncadd.s32 $0xFFFFF800;
	(pc) =	sbr.rel @p0 .LBB2_1-.Ltmp1, $4  }
0xa6: {  	[hbm4b:s17+s2] =	stream.linear.scatter [tilespmem:s11], [sflag:$0x2], $0x2000, $0x38;
	[tilespmem:$0x2200] =	vst v63  }
0xa7: {  	_ =	swait.ge [sflag:s7], $0x2000  }
0xa8: {  	[sflag:s7] =	ssyncset.done $0x0  }
0xa9: {  	[sflag:s7] =	ssyncadd.s32 $0xFFFFE000  }
0xaa: {  	_ =	sfence.sel $0x180000  }
0xab: {  	[bflag:$0x0] =	sbarrier.arrive $0xFFFF  }
0xac: {  	p0 =	sne.s32 s1, $0x0;
	_ =	strace $0x90000047  }
0xad: {  	s0 =	sadd.s32 @!p0 $0x100000, s0;
	[bflag:$0x2] =	sbarrier.arrive $0xFFFF  }
0xae: {  	[sflag:s0] =	ssyncadd.tile.s32 @!p0 $0x1;
	_ =	shalt  }
.Lfunc_end2:
_tile_overlayer_lowered:
.L_overlay_start_2:
0xaf: {  	(tag) =	ssettag $0x2  }
0xb0: {  	s0 =	rddreg [dreg:$0x0];
	s2 =	stileid.u32  }
0xb1: {  	s1 =	rddreg [dreg:$0x1];
	p0 =	sne.s32 s2, $0x0  }
0xb2: {  	s3 =	rddreg [dreg:$0x2];
	[bflag:$0x3] =	sbarrier.arrive $0xFFFF;
	s2 =	simm.s32 @!p0 $0x1C02  }
0xb3: {  	[timem:s3], [sflag:s2] =	dma.local @!p0 [hbm:s0], s1  }
0xb4: {  	s0 =	simm.s32 @!p0 $0x2  }
0xb5: {  	_ =	swait.ge @!p0 [sflag:s0], s1  }
0xb6: {  	s1 =	ssub.s32 @!p0 $0x0, s1;
	[sflag:s0] =	ssyncset.done @!p0 $0x0  }
0xb7: {  	[sflag:s0] =	ssyncadd.s32 @!p0 s1  }
0xb8: {  	[bflag:$0x3] =	sbarrier.arrive $0xFFFF  }
0xb9: {  	_ =	shalt  }

</sc_bundles>
